<compile_context>
chip_gen: v7x
topology: tpu7x:2x2x1
jax: 0.10.2.dev20260603
libtpu: 0.0.44.dev20260713+nightly
codegen_flags: <defaults>
</compile_context>

<pallas_src>
import numpy as np
import jax
import jax.numpy as jnp
from jax import lax
from jax.experimental import pallas as pl
from jax.experimental.pallas import tpu as pltpu
from jax.experimental.pallas import tpu_sc as plsc

_N = 4096
_n = 8192
_m = 4
_sigma = 2.0
_BX = 4
_BF = 2
_M = 65536

_NW = 32
_CHUNKS = _NW // _BX
_CHUNK = _M // _CHUNKS
_DEG = 8


def _window_poly_coeffs():
    b = (2.0 - 1.0 / _sigma) * np.pi
    fr = (np.cos(np.pi * (np.arange(400) + 0.5) / 400) + 1.0) / 2.0
    u = 2.0 * fr - 1.0
    from numpy.polynomial import chebyshev as C
    evens, odds = [], []
    for j in range(4):
        t = _m - j - fr
        s = _m * _m - t * t
        arg = np.sqrt(s)
        y = np.sinh(b * arg) / (arg * np.pi)
        c = C.chebfit(u, y, _DEG)
        p = C.cheb2poly(c)
        if len(p) < _DEG + 1:
            p = np.concatenate([p, np.zeros(_DEG + 1 - len(p))])
        sgn = (-1.0) ** j
        evens.append(sgn * p[0::2])
        odds.append(sgn * p[1::2])
    return np.asarray(evens, np.float64), np.asarray(odds, np.float64)


_EV, _OD = _window_poly_coeffs()


def _phi_hat_np():
    b = (2.0 - 1.0 / _sigma) * np.pi
    inds = np.arange(-(_N // 2), _N // 2, dtype=np.float64)
    return np.i0(_m * np.sqrt(b * b - (2.0 * np.pi * inds / _n) ** 2))


_PHI_HAT = np.asarray(_phi_hat_np(), np.float32)


def _horner(coeffs, v):
    acc = jnp.float32(coeffs[-1]) * v + jnp.float32(coeffs[-2])
    for k in range(len(coeffs) - 3, -1, -1):
        acc = acc * v + jnp.float32(coeffs[k])
    return acc


def _tec_kernel(gre_h, gim_h, x_h, ore_h, oim_h,
                t0r, t0i, t1r, t1i, xv, o0r, o0i, o1r, o1i):
    cid = lax.axis_index("c")
    sid = lax.axis_index("s")
    wid = sid * 2 + cid
    bx = wid // _CHUNKS
    pltpu.sync_copy(gre_h.at[bx * _BF + 0], t0r)
    pltpu.sync_copy(gim_h.at[bx * _BF + 0], t0i)
    pltpu.sync_copy(gre_h.at[bx * _BF + 1], t1r)
    pltpu.sync_copy(gim_h.at[bx * _BF + 1], t1i)
    pltpu.sync_copy(x_h.at[wid], xv)

    @plsc.parallel_loop(0, _CHUNK, 16, unroll=3)
    def body(bs):
        xv16 = xv[pl.ds(bs, 16)]
        y = xv16 * jnp.float32(_n)
        ti = y.astype(jnp.int32)
        tf = ti.astype(jnp.float32)
        ci = jnp.where(y > tf, ti + 1, ti)
        cf = ci.astype(jnp.float32)
        frac = cf - y
        uu = 2.0 * frac - 1.0
        vv = uu * uu
        bidx = ci + jnp.int32(_n - _m)
        sf = 1.0 - 2.0 * jnp.bitwise_and(ci, 1).astype(jnp.float32)
        a0r = jnp.zeros((16,), jnp.float32)
        a0i = jnp.zeros((16,), jnp.float32)
        a1r = jnp.zeros((16,), jnp.float32)
        a1i = jnp.zeros((16,), jnp.float32)
        for j in range(4):
            e = _horner(_EV[j], vv)
            o = _horner(_OD[j], vv)
            uo = uu * o
            wlo = e + uo
            whi = uo - e
            if j == 0:
                wlo = jnp.where(frac > 0.0, wlo, 0.0)
            for jj, w in ((j, wlo), (7 - j, whi)):
                idx = jnp.bitwise_and(bidx + jnp.int32(jj), jnp.int32(_n - 1))
                a0r = a0r + w * plsc.load_gather(t0r, [idx])
                a0i = a0i + w * plsc.load_gather(t0i, [idx])
                a1r = a1r + w * plsc.load_gather(t1r, [idx])
                a1i = a1i + w * plsc.load_gather(t1i, [idx])
        o0r[pl.ds(bs, 16)] = sf * a0r
        o0i[pl.ds(bs, 16)] = sf * a0i
        o1r[pl.ds(bs, 16)] = sf * a1r
        o1i[pl.ds(bs, 16)] = sf * a1i

    ch = wid % _CHUNKS
    pltpu.sync_copy(o0r, ore_h.at[bx, 0, pl.ds(ch * _CHUNK, _CHUNK)])
    pltpu.sync_copy(o0i, oim_h.at[bx, 0, pl.ds(ch * _CHUNK, _CHUNK)])
    pltpu.sync_copy(o1r, ore_h.at[bx, 1, pl.ds(ch * _CHUNK, _CHUNK)])
    pltpu.sync_copy(o1i, oim_h.at[bx, 1, pl.ds(ch * _CHUNK, _CHUNK)])


@jax.jit
def kernel(x, f_hat):
    phi_hat = jnp.asarray(_PHI_HAT)
    g_hat = f_hat / phi_hat
    pad = (_n - _N) // 2
    g_hat = jnp.pad(g_hat, ((0, 0), (0, 0), (pad, pad)))
    g = jnp.fft.fft(g_hat)
    gre = jnp.real(g).reshape(_BX * _BF, _n).astype(jnp.float32)
    gim = jnp.imag(g).reshape(_BX * _BF, _n).astype(jnp.float32)
    xr = x.reshape(_NW, _CHUNK)

    sc_call = pl.kernel(
        _tec_kernel,
        out_type=[
            jax.ShapeDtypeStruct((_BX, _BF, _M), jnp.float32),
            jax.ShapeDtypeStruct((_BX, _BF, _M), jnp.float32),
        ],
        mesh=plsc.VectorSubcoreMesh(core_axis_name="c", subcore_axis_name="s"),
        compiler_params=pltpu.CompilerParams(needs_layout_passes=False),
        scratch_types=[
            pltpu.VMEM((_n,), jnp.float32),
            pltpu.VMEM((_n,), jnp.float32),
            pltpu.VMEM((_n,), jnp.float32),
            pltpu.VMEM((_n,), jnp.float32),
            pltpu.VMEM((_CHUNK,), jnp.float32),
            pltpu.VMEM((_CHUNK,), jnp.float32),
            pltpu.VMEM((_CHUNK,), jnp.float32),
            pltpu.VMEM((_CHUNK,), jnp.float32),
            pltpu.VMEM((_CHUNK,), jnp.float32),
        ],
    )
    ore, oim = sc_call(gre, gim, xr)
    return (ore + 1j * oim).astype(jnp.complex64)

# --- scband reference (transcript-rebuilt; emitter-appended) ---
"""Pipeline reference for scband-nfft-29781303230647 (READ-ONLY COPY).

The authoritative reference and input builder live on the scoring server;
editing this copy changes nothing except your own understanding.
"""

import jax, jax.numpy as jnp
import numpy as np

N = 4096
n = 8192
m = 4
sigma = 2.0
BX = 4
BF = 2
M = 65536


def _phi(k):
    # KaiserBesselWindow.forward, grad-safe version of nan_to_num(sinh(b*arg)/(arg*pi))
    b = (2.0 - 1.0 / sigma) * np.pi
    arg_sq = m ** 2 - (n ** 2) * (k ** 2)
    safe = arg_sq > 0
    arg = jnp.sqrt(jnp.where(safe, arg_sq, 1.0))
    out = jnp.where(safe, jnp.sinh(b * arg) / (arg * np.pi), 0.0)
    return jnp.prod(out, -1)


def _phi_hat():
    # KaiserBesselWindow.Fourier_coefficients on the centered frequency grid
    b = (2.0 - 1.0 / sigma) * np.pi
    inds = jnp.arange(-(N // 2), N // 2, dtype=jnp.float32)
    return jax.scipy.special.i0(m * jnp.sqrt(b ** 2 - (2.0 * np.pi * inds / n) ** 2))


def _forward_nfft(x, f_hat):
    # forward_nfft for d == 1
    phi_hat = _phi_hat()
    g_hat = f_hat / phi_hat  # [BX, BF, N]
    pad = (n - N) // 2
    g_hat = jnp.pad(g_hat, ((0, 0), (0, 0), (pad, pad)))  # [BX, BF, n]
    g_hat = jnp.fft.fftshift(g_hat, axes=-1)
    g = jnp.fft.fft(g_hat, norm='backward')
    g = jnp.fft.ifftshift(g, axes=-1)  # [BX, BF, n] complex
    # sparse_convolution (d == 1)
    window = jnp.arange(0, 2 * m, dtype=jnp.int32).reshape(2 * m, 1, 1, 1, 1)
    inds = (jnp.ceil(x * n).astype(jnp.int32) - m)[None] + window  # [2m, BX, 1, M, 1]
    increments = _phi(x[None] - inds.astype(x.dtype) / n)  # [2m, BX, 1, M]
    inds = (inds[..., 0] + n // 2) % n  # [2m, BX, 1, M]
    bx, bf = f_hat.shape[0], f_hat.shape[1]
    inds = jnp.tile(inds, (1, 1, bf, 1))  # [2m, BX, BF, M]
    offsets = (jnp.arange(bx * bf, dtype=jnp.int32) * n).reshape(1, bx, bf, 1)
    inds = inds + offsets
    g_flat = g.reshape(-1)
    g_l = jnp.take(g_flat, inds.reshape(-1), axis=0).reshape(inds.shape)  # gather
    g_l = g_l * increments  # increments broadcasts over BF dim
    f = jnp.sum(g_l, 0)  # [BX, BF, M] complex
    return f


def setup_inputs(seed: int = 0) -> dict:
    key = jax.random.key(seed)
    k1, k2 = jax.random.split(key)
    x = jax.random.uniform(k1, (BX, 1, M, 1), dtype=jnp.float32, minval=-0.5, maxval=0.5)
    f_hat = jax.random.normal(k2, (BX, BF, N), dtype=jnp.float32)
    return {"x": x, "f_hat": f_hat}


def reference(x, f_hat):
    return _forward_nfft(x, f_hat)

if __name__ == "__main__":
    import jax
    _d = setup_inputs()
    print(jax.jit(kernel)(*tuple(_d.values())))

</pallas_src>

<mosaic_0001>
#map = affine_map<(d0, d1) -> (0, 0)>
#map1 = affine_map<(d0, d1) -> (0, 0, 0)>
module attributes {stable_mosaic.version = 14 : i64} {
  func.func @_tec_kernel(%arg0: i32, %arg1: i32, %arg2: memref<8x8192xf32, #tpu.memory_space<hbm>>, %arg3: memref<8x8192xf32, #tpu.memory_space<hbm>>, %arg4: memref<32x8192xf32, #tpu.memory_space<hbm>>, %arg5: memref<4x2x65536xf32, #tpu.memory_space<hbm>>, %arg6: memref<4x2x65536xf32, #tpu.memory_space<hbm>>, %arg7: memref<8192xf32, #tpu.memory_space<vmem>>, %arg8: memref<8192xf32, #tpu.memory_space<vmem>>, %arg9: memref<8192xf32, #tpu.memory_space<vmem>>, %arg10: memref<8192xf32, #tpu.memory_space<vmem>>, %arg11: memref<8192xf32, #tpu.memory_space<vmem>>, %arg12: memref<8192xf32, #tpu.memory_space<vmem>>, %arg13: memref<8192xf32, #tpu.memory_space<vmem>>, %arg14: memref<8192xf32, #tpu.memory_space<vmem>>, %arg15: memref<8192xf32, #tpu.memory_space<vmem>>) attributes {dimension_semantics = [#tpu.dimension_semantics<core_parallel>, #tpu.dimension_semantics<subcore_parallel>], iteration_bounds = array<i64: 2, 16>, scalar_prefetch = 0 : i64, scratch_operands = 9 : i64, tpu.core_type = #tpu.core_type<sc_vector_subcore>, window_params = [{transform_indices = #map}, {transform_indices = #map}, {transform_indices = #map}, {transform_indices = #map1}, {transform_indices = #map1}]} {
    %mul3A = arith.constant 2 : i32
    %mul3A_0 = arith.muli %arg1, %mul3A : i32
    %add3A = arith.addi %mul3A_0, %arg0 : i32
    %jit3A = arith.constant 8 : i32
    %div3A = arith.divsi %add3A, %jit3A : i32
    %sign3A = arith.constant 0 : i32
    %sign3A_1 = arith.cmpi sgt, %add3A, %sign3A : i32
    %sign3A_2 = arith.extui %sign3A_1 : i1 to i32
    %sign3A_3 = arith.constant 0 : i32
    %sign3A_4 = arith.cmpi slt, %add3A, %sign3A_3 : i32
    %sign3A_5 = arith.extui %sign3A_4 : i1 to i32
    %sign3A_6 = arith.subi %sign3A_2, %sign3A_5 : i32
    %sign3A_7 = arith.constant 0 : i32
    %sign3A_8 = arith.cmpi sgt, %jit3A, %sign3A_7 : i32
    %sign3A_9 = arith.extui %sign3A_8 : i1 to i32
    %sign3A_10 = arith.constant 0 : i32
    %sign3A_11 = arith.cmpi slt, %jit3A, %sign3A_10 : i32
    %sign3A_12 = arith.extui %sign3A_11 : i1 to i32
    %sign3A_13 = arith.subi %sign3A_9, %sign3A_12 : i32
    %ne3A = arith.cmpi ne, %sign3A_6, %sign3A_13 : i32
    %rem3A = arith.remsi %add3A, %jit3A : i32
    %ne3A_14 = arith.constant 0 : i32
    %ne3A_15 = arith.cmpi ne, %rem3A, %ne3A_14 : i32
    %and3A = arith.andi %ne3A, %ne3A_15 : i1
    %sub3A = arith.constant 1 : i32
    %sub3A_16 = arith.subi %div3A, %sub3A : i32
    %select_n3A = arith.select %and3A, %sub3A_16, %div3A : i32
    %mul3A_17 = arith.constant 2 : i32
    %mul3A_18 = arith.muli %select_n3A, %mul3A_17 : i32
    %add3A_19 = arith.constant 0 : i32
    %add3A_20 = arith.addi %mul3A_18, %add3A_19 : i32
    "tpu.region"() ({
      %run_scoped3A_60 = tpu.sem_alloc : memref<!tpu.dma_semaphore, #tpu.memory_space<semaphore_mem>>
      %dma_start3A = arith.constant 0 : i32
      %dma_start3A_61 = tpu.memref_slice %arg2[%add3A_20, %dma_start3A] : memref<8x8192xf32, #tpu.memory_space<hbm>> -> memref<1x8192xf32, #tpu.memory_space<hbm>>
      %dma_start3A_62 = tpu.memref_squeeze %dma_start3A_61 : memref<1x8192xf32, #tpu.memory_space<hbm>> -> memref<8192xf32, #tpu.memory_space<hbm>>
      %dma_start3A_63 = arith.constant 0 : i32
      %dma_start3A_64 = tpu.memref_slice %arg2[%add3A_20, %dma_start3A_63] : memref<8x8192xf32, #tpu.memory_space<hbm>> -> memref<1x8192xf32, #tpu.memory_space<hbm>>
      %dma_start3A_65 = tpu.memref_squeeze %dma_start3A_64 : memref<1x8192xf32, #tpu.memory_space<hbm>> -> memref<8192xf32, #tpu.memory_space<hbm>>
      tpu.enqueue_dma source(%dma_start3A_65 : memref<8192xf32, #tpu.memory_space<hbm>>) target(%arg7 : memref<8192xf32, #tpu.memory_space<vmem>>) target_semaphore(%run_scoped3A_60 : memref<!tpu.dma_semaphore, #tpu.memory_space<semaphore_mem>>)
      %dma_wait3A = arith.constant 0 : i32
      %dma_wait3A_66 = tpu.memref_slice %arg2[%add3A_20, %dma_wait3A] : memref<8x8192xf32, #tpu.memory_space<hbm>> -> memref<1x8192xf32, #tpu.memory_space<hbm>>
      %dma_wait3A_67 = tpu.memref_squeeze %dma_wait3A_66 : memref<1x8192xf32, #tpu.memory_space<hbm>> -> memref<8192xf32, #tpu.memory_space<hbm>>
      %dma_wait3A_68 = arith.constant 0 : i32
      %dma_wait3A_69 = tpu.memref_slice %arg2[%add3A_20, %dma_wait3A_68] : memref<8x8192xf32, #tpu.memory_space<hbm>> -> memref<1x8192xf32, #tpu.memory_space<hbm>>
      %dma_wait3A_70 = tpu.memref_squeeze %dma_wait3A_69 : memref<1x8192xf32, #tpu.memory_space<hbm>> -> memref<8192xf32, #tpu.memory_space<hbm>>
      tpu.wait_dma2 semaphore(%run_scoped3A_60 : memref<!tpu.dma_semaphore, #tpu.memory_space<semaphore_mem>>) src(%dma_wait3A_70 : memref<8192xf32, #tpu.memory_space<hbm>>) dst(%arg7 : memref<8192xf32, #tpu.memory_space<vmem>>)
      tpu.yield
    }) : () -> ()
    %mul3A_21 = arith.constant 2 : i32
    %mul3A_22 = arith.muli %select_n3A, %mul3A_21 : i32
    %add3A_23 = arith.constant 0 : i32
    %add3A_24 = arith.addi %mul3A_22, %add3A_23 : i32
    "tpu.region"() ({
      %run_scoped3A_60 = tpu.sem_alloc : memref<!tpu.dma_semaphore, #tpu.memory_space<semaphore_mem>>
      %dma_start3A = arith.constant 0 : i32
      %dma_start3A_61 = tpu.memref_slice %arg3[%add3A_24, %dma_start3A] : memref<8x8192xf32, #tpu.memory_space<hbm>> -> memref<1x8192xf32, #tpu.memory_space<hbm>>
      %dma_start3A_62 = tpu.memref_squeeze %dma_start3A_61 : memref<1x8192xf32, #tpu.memory_space<hbm>> -> memref<8192xf32, #tpu.memory_space<hbm>>
      %dma_start3A_63 = arith.constant 0 : i32
      %dma_start3A_64 = tpu.memref_slice %arg3[%add3A_24, %dma_start3A_63] : memref<8x8192xf32, #tpu.memory_space<hbm>> -> memref<1x8192xf32, #tpu.memory_space<hbm>>
      %dma_start3A_65 = tpu.memref_squeeze %dma_start3A_64 : memref<1x8192xf32, #tpu.memory_space<hbm>> -> memref<8192xf32, #tpu.memory_space<hbm>>
      tpu.enqueue_dma source(%dma_start3A_65 : memref<8192xf32, #tpu.memory_space<hbm>>) target(%arg8 : memref<8192xf32, #tpu.memory_space<vmem>>) target_semaphore(%run_scoped3A_60 : memref<!tpu.dma_semaphore, #tpu.memory_space<semaphore_mem>>)
      %dma_wait3A = arith.constant 0 : i32
      %dma_wait3A_66 = tpu.memref_slice %arg3[%add3A_24, %dma_wait3A] : memref<8x8192xf32, #tpu.memory_space<hbm>> -> memref<1x8192xf32, #tpu.memory_space<hbm>>
      %dma_wait3A_67 = tpu.memref_squeeze %dma_wait3A_66 : memref<1x8192xf32, #tpu.memory_space<hbm>> -> memref<8192xf32, #tpu.memory_space<hbm>>
      %dma_wait3A_68 = arith.constant 0 : i32
      %dma_wait3A_69 = tpu.memref_slice %arg3[%add3A_24, %dma_wait3A_68] : memref<8x8192xf32, #tpu.memory_space<hbm>> -> memref<1x8192xf32, #tpu.memory_space<hbm>>
      %dma_wait3A_70 = tpu.memref_squeeze %dma_wait3A_69 : memref<1x8192xf32, #tpu.memory_space<hbm>> -> memref<8192xf32, #tpu.memory_space<hbm>>
      tpu.wait_dma2 semaphore(%run_scoped3A_60 : memref<!tpu.dma_semaphore, #tpu.memory_space<semaphore_mem>>) src(%dma_wait3A_70 : memref<8192xf32, #tpu.memory_space<hbm>>) dst(%arg8 : memref<8192xf32, #tpu.memory_space<vmem>>)
      tpu.yield
    }) : () -> ()
    %mul3A_25 = arith.constant 2 : i32
    %mul3A_26 = arith.muli %select_n3A, %mul3A_25 : i32
    %add3A_27 = arith.constant 1 : i32
    %add3A_28 = arith.addi %mul3A_26, %add3A_27 : i32
    "tpu.region"() ({
      %run_scoped3A_60 = tpu.sem_alloc : memref<!tpu.dma_semaphore, #tpu.memory_space<semaphore_mem>>
      %dma_start3A = arith.constant 0 : i32
      %dma_start3A_61 = tpu.memref_slice %arg2[%add3A_28, %dma_start3A] : memref<8x8192xf32, #tpu.memory_space<hbm>> -> memref<1x8192xf32, #tpu.memory_space<hbm>>
      %dma_start3A_62 = tpu.memref_squeeze %dma_start3A_61 : memref<1x8192xf32, #tpu.memory_space<hbm>> -> memref<8192xf32, #tpu.memory_space<hbm>>
      %dma_start3A_63 = arith.constant 0 : i32
      %dma_start3A_64 = tpu.memref_slice %arg2[%add3A_28, %dma_start3A_63] : memref<8x8192xf32, #tpu.memory_space<hbm>> -> memref<1x8192xf32, #tpu.memory_space<hbm>>
      %dma_start3A_65 = tpu.memref_squeeze %dma_start3A_64 : memref<1x8192xf32, #tpu.memory_space<hbm>> -> memref<8192xf32, #tpu.memory_space<hbm>>
      tpu.enqueue_dma source(%dma_start3A_65 : memref<8192xf32, #tpu.memory_space<hbm>>) target(%arg9 : memref<8192xf32, #tpu.memory_space<vmem>>) target_semaphore(%run_scoped3A_60 : memref<!tpu.dma_semaphore, #tpu.memory_space<semaphore_mem>>)
      %dma_wait3A = arith.constant 0 : i32
      %dma_wait3A_66 = tpu.memref_slice %arg2[%add3A_28, %dma_wait3A] : memref<8x8192xf32, #tpu.memory_space<hbm>> -> memref<1x8192xf32, #tpu.memory_space<hbm>>
      %dma_wait3A_67 = tpu.memref_squeeze %dma_wait3A_66 : memref<1x8192xf32, #tpu.memory_space<hbm>> -> memref<8192xf32, #tpu.memory_space<hbm>>
      %dma_wait3A_68 = arith.constant 0 : i32
      %dma_wait3A_69 = tpu.memref_slice %arg2[%add3A_28, %dma_wait3A_68] : memref<8x8192xf32, #tpu.memory_space<hbm>> -> memref<1x8192xf32, #tpu.memory_space<hbm>>
      %dma_wait3A_70 = tpu.memref_squeeze %dma_wait3A_69 : memref<1x8192xf32, #tpu.memory_space<hbm>> -> memref<8192xf32, #tpu.memory_space<hbm>>
      tpu.wait_dma2 semaphore(%run_scoped3A_60 : memref<!tpu.dma_semaphore, #tpu.memory_space<semaphore_mem>>) src(%dma_wait3A_70 : memref<8192xf32, #tpu.memory_space<hbm>>) dst(%arg9 : memref<8192xf32, #tpu.memory_space<vmem>>)
      tpu.yield
    }) : () -> ()
    %mul3A_29 = arith.constant 2 : i32
    %mul3A_30 = arith.muli %select_n3A, %mul3A_29 : i32
    %add3A_31 = arith.constant 1 : i32
    %add3A_32 = arith.addi %mul3A_30, %add3A_31 : i32
    "tpu.region"() ({
      %run_scoped3A_60 = tpu.sem_alloc : memref<!tpu.dma_semaphore, #tpu.memory_space<semaphore_mem>>
      %dma_start3A = arith.constant 0 : i32
      %dma_start3A_61 = tpu.memref_slice %arg3[%add3A_32, %dma_start3A] : memref<8x8192xf32, #tpu.memory_space<hbm>> -> memref<1x8192xf32, #tpu.memory_space<hbm>>
      %dma_start3A_62 = tpu.memref_squeeze %dma_start3A_61 : memref<1x8192xf32, #tpu.memory_space<hbm>> -> memref<8192xf32, #tpu.memory_space<hbm>>
      %dma_start3A_63 = arith.constant 0 : i32
      %dma_start3A_64 = tpu.memref_slice %arg3[%add3A_32, %dma_start3A_63] : memref<8x8192xf32, #tpu.memory_space<hbm>> -> memref<1x8192xf32, #tpu.memory_space<hbm>>
      %dma_start3A_65 = tpu.memref_squeeze %dma_start3A_64 : memref<1x8192xf32, #tpu.memory_space<hbm>> -> memref<8192xf32, #tpu.memory_space<hbm>>
      tpu.enqueue_dma source(%dma_start3A_65 : memref<8192xf32, #tpu.memory_space<hbm>>) target(%arg10 : memref<8192xf32, #tpu.memory_space<vmem>>) target_semaphore(%run_scoped3A_60 : memref<!tpu.dma_semaphore, #tpu.memory_space<semaphore_mem>>)
      %dma_wait3A = arith.constant 0 : i32
      %dma_wait3A_66 = tpu.memref_slice %arg3[%add3A_32, %dma_wait3A] : memref<8x8192xf32, #tpu.memory_space<hbm>> -> memref<1x8192xf32, #tpu.memory_space<hbm>>
      %dma_wait3A_67 = tpu.memref_squeeze %dma_wait3A_66 : memref<1x8192xf32, #tpu.memory_space<hbm>> -> memref<8192xf32, #tpu.memory_space<hbm>>
      %dma_wait3A_68 = arith.constant 0 : i32
      %dma_wait3A_69 = tpu.memref_slice %arg3[%add3A_32, %dma_wait3A_68] : memref<8x8192xf32, #tpu.memory_space<hbm>> -> memref<1x8192xf32, #tpu.memory_space<hbm>>
      %dma_wait3A_70 = tpu.memref_squeeze %dma_wait3A_69 : memref<1x8192xf32, #tpu.memory_space<hbm>> -> memref<8192xf32, #tpu.memory_space<hbm>>
      tpu.wait_dma2 semaphore(%run_scoped3A_60 : memref<!tpu.dma_semaphore, #tpu.memory_space<semaphore_mem>>) src(%dma_wait3A_70 : memref<8192xf32, #tpu.memory_space<hbm>>) dst(%arg10 : memref<8192xf32, #tpu.memory_space<vmem>>)
      tpu.yield
    }) : () -> ()
    "tpu.region"() ({
      %run_scoped3A_60 = tpu.sem_alloc : memref<!tpu.dma_semaphore, #tpu.memory_space<semaphore_mem>>
      %dma_start3A = arith.constant 0 : i32
      %dma_start3A_61 = tpu.memref_slice %arg4[%add3A, %dma_start3A] : memref<32x8192xf32, #tpu.memory_space<hbm>> -> memref<1x8192xf32, #tpu.memory_space<hbm>>
      %dma_start3A_62 = tpu.memref_squeeze %dma_start3A_61 : memref<1x8192xf32, #tpu.memory_space<hbm>> -> memref<8192xf32, #tpu.memory_space<hbm>>
      %dma_start3A_63 = arith.constant 0 : i32
      %dma_start3A_64 = tpu.memref_slice %arg4[%add3A, %dma_start3A_63] : memref<32x8192xf32, #tpu.memory_space<hbm>> -> memref<1x8192xf32, #tpu.memory_space<hbm>>
      %dma_start3A_65 = tpu.memref_squeeze %dma_start3A_64 : memref<1x8192xf32, #tpu.memory_space<hbm>> -> memref<8192xf32, #tpu.memory_space<hbm>>
      tpu.enqueue_dma source(%dma_start3A_65 : memref<8192xf32, #tpu.memory_space<hbm>>) target(%arg11 : memref<8192xf32, #tpu.memory_space<vmem>>) target_semaphore(%run_scoped3A_60 : memref<!tpu.dma_semaphore, #tpu.memory_space<semaphore_mem>>)
      %dma_wait3A = arith.constant 0 : i32
      %dma_wait3A_66 = tpu.memref_slice %arg4[%add3A, %dma_wait3A] : memref<32x8192xf32, #tpu.memory_space<hbm>> -> memref<1x8192xf32, #tpu.memory_space<hbm>>
      %dma_wait3A_67 = tpu.memref_squeeze %dma_wait3A_66 : memref<1x8192xf32, #tpu.memory_space<hbm>> -> memref<8192xf32, #tpu.memory_space<hbm>>
      %dma_wait3A_68 = arith.constant 0 : i32
      %dma_wait3A_69 = tpu.memref_slice %arg4[%add3A, %dma_wait3A_68] : memref<32x8192xf32, #tpu.memory_space<hbm>> -> memref<1x8192xf32, #tpu.memory_space<hbm>>
      %dma_wait3A_70 = tpu.memref_squeeze %dma_wait3A_69 : memref<1x8192xf32, #tpu.memory_space<hbm>> -> memref<8192xf32, #tpu.memory_space<hbm>>
      tpu.wait_dma2 semaphore(%run_scoped3A_60 : memref<!tpu.dma_semaphore, #tpu.memory_space<semaphore_mem>>) src(%dma_wait3A_70 : memref<8192xf32, #tpu.memory_space<hbm>>) dst(%arg11 : memref<8192xf32, #tpu.memory_space<vmem>>)
      tpu.yield
    }) : () -> ()
    %parallel_loop3A = arith.constant 0 : i32
    %parallel_loop3A_33 = arith.constant 8192 : i32
    %parallel_loop3A_34 = arith.constant 16 : i32
    scf.for %parallel_loop3A_60 = %parallel_loop3A to %parallel_loop3A_33 step %parallel_loop3A_34  : i32 {
      %parallel_loop3A_61 = arith.index_cast %parallel_loop3A_60 : i32 to index
      %parallel_loop3A_62 = tpu.vector_load %arg11[%parallel_loop3A_61] {strides = array<i32>} : memref<8192xf32, #tpu.memory_space<vmem>>, vector<16xf32>,
      %parallel_loop3A_63 = arith.constant 8.192000e+03 : f32
      %parallel_loop3A_64 = vector.broadcast %parallel_loop3A_63 : f32 to vector<16xf32>
      %parallel_loop3A_65 = arith.mulf %parallel_loop3A_62, %parallel_loop3A_64 : vector<16xf32>
      %parallel_loop3A_66 = arith.fptosi %parallel_loop3A_65 : vector<16xf32> to vector<16xi32>
      %parallel_loop3A_67 = arith.sitofp %parallel_loop3A_66 : vector<16xi32> to vector<16xf32>
      %parallel_loop3A_68 = arith.cmpf ogt, %parallel_loop3A_65, %parallel_loop3A_67 : vector<16xf32>
      %parallel_loop3A_69 = arith.constant 1 : i32
      %parallel_loop3A_70 = vector.broadcast %parallel_loop3A_69 : i32 to vector<16xi32>
      %parallel_loop3A_71 = arith.addi %parallel_loop3A_66, %parallel_loop3A_70 : vector<16xi32>
      %parallel_loop3A_72 = arith.select %parallel_loop3A_68, %parallel_loop3A_71, %parallel_loop3A_66 : vector<16xi1>, vector<16xi32>
      %parallel_loop3A_73 = arith.sitofp %parallel_loop3A_72 : vector<16xi32> to vector<16xf32>
      %parallel_loop3A_74 = arith.subf %parallel_loop3A_73, %parallel_loop3A_65 : vector<16xf32>
      %parallel_loop3A_75 = arith.constant 2.000000e+00 : f32
      %parallel_loop3A_76 = vector.broadcast %parallel_loop3A_75 : f32 to vector<16xf32>
      %parallel_loop3A_77 = arith.mulf %parallel_loop3A_76, %parallel_loop3A_74 : vector<16xf32>
      %parallel_loop3A_78 = arith.constant 1.000000e+00 : f32
      %parallel_loop3A_79 = vector.broadcast %parallel_loop3A_78 : f32 to vector<16xf32>
      %parallel_loop3A_80 = arith.subf %parallel_loop3A_77, %parallel_loop3A_79 : vector<16xf32>
      %parallel_loop3A_81 = arith.mulf %parallel_loop3A_80, %parallel_loop3A_80 : vector<16xf32>
      %parallel_loop3A_82 = arith.constant 8188 : i32
      %parallel_loop3A_83 = vector.broadcast %parallel_loop3A_82 : i32 to vector<16xi32>
      %parallel_loop3A_84 = arith.addi %parallel_loop3A_72, %parallel_loop3A_83 : vector<16xi32>
      %parallel_loop3A_85 = arith.constant 1 : i32
      %parallel_loop3A_86 = vector.broadcast %parallel_loop3A_85 : i32 to vector<16xi32>
      %parallel_loop3A_87 = arith.andi %parallel_loop3A_72, %parallel_loop3A_86 : vector<16xi32>
      %parallel_loop3A_88 = arith.sitofp %parallel_loop3A_87 : vector<16xi32> to vector<16xf32>
      %parallel_loop3A_89 = arith.constant 2.000000e+00 : f32
      %parallel_loop3A_90 = vector.broadcast %parallel_loop3A_89 : f32 to vector<16xf32>
      %parallel_loop3A_91 = arith.mulf %parallel_loop3A_90, %parallel_loop3A_88 : vector<16xf32>
      %parallel_loop3A_92 = arith.constant 1.000000e+00 : f32
      %parallel_loop3A_93 = vector.broadcast %parallel_loop3A_92 : f32 to vector<16xf32>
      %parallel_loop3A_94 = arith.subf %parallel_loop3A_93, %parallel_loop3A_91 : vector<16xf32>
      %parallel_loop3A_95 = arith.constant 0.000000e+00 : f32
      %parallel_loop3A_96 = vector.broadcast %parallel_loop3A_95 : f32 to vector<16xf32>
      %parallel_loop3A_97 = arith.constant 0.000000e+00 : f32
      %parallel_loop3A_98 = vector.broadcast %parallel_loop3A_97 : f32 to vector<16xf32>
      %parallel_loop3A_99 = arith.constant 0.000000e+00 : f32
      %parallel_loop3A_100 = vector.broadcast %parallel_loop3A_99 : f32 to vector<16xf32>
      %parallel_loop3A_101 = arith.constant 0.000000e+00 : f32
      %parallel_loop3A_102 = vector.broadcast %parallel_loop3A_101 : f32 to vector<16xf32>
      %parallel_loop3A_103 = arith.constant -6.31391716 : f32
      %parallel_loop3A_104 = vector.broadcast %parallel_loop3A_103 : f32 to vector<16xf32>
      %parallel_loop3A_105 = arith.mulf %parallel_loop3A_104, %parallel_loop3A_81 : vector<16xf32>
      %parallel_loop3A_106 = arith.constant 125.409195 : f32
      %parallel_loop3A_107 = vector.broadcast %parallel_loop3A_106 : f32 to vector<16xf32>
      %parallel_loop3A_108 = arith.addf %parallel_loop3A_105, %parallel_loop3A_107 : vector<16xf32>
      %parallel_loop3A_109 = arith.mulf %parallel_loop3A_108, %parallel_loop3A_81 : vector<16xf32>
      %parallel_loop3A_110 = arith.constant 2304.13379 : f32
      %parallel_loop3A_111 = vector.broadcast %parallel_loop3A_110 : f32 to vector<16xf32>
      %parallel_loop3A_112 = arith.addf %parallel_loop3A_109, %parallel_loop3A_111 : vector<16xf32>
      %parallel_loop3A_113 = arith.mulf %parallel_loop3A_112, %parallel_loop3A_81 : vector<16xf32>
      %parallel_loop3A_114 = arith.constant 4637.73096 : f32
      %parallel_loop3A_115 = vector.broadcast %parallel_loop3A_114 : f32 to vector<16xf32>
      %parallel_loop3A_116 = arith.addf %parallel_loop3A_113, %parallel_loop3A_115 : vector<16xf32>
      %parallel_loop3A_117 = arith.mulf %parallel_loop3A_116, %parallel_loop3A_81 : vector<16xf32>
      %parallel_loop3A_118 = arith.constant 755.022216 : f32
      %parallel_loop3A_119 = vector.broadcast %parallel_loop3A_118 : f32 to vector<16xf32>
      %parallel_loop3A_120 = arith.addf %parallel_loop3A_117, %parallel_loop3A_119 : vector<16xf32>
      %parallel_loop3A_121 = arith.constant -6.83680964 : f32
      %parallel_loop3A_122 = vector.broadcast %parallel_loop3A_121 : f32 to vector<16xf32>
      %parallel_loop3A_123 = arith.mulf %parallel_loop3A_122, %parallel_loop3A_81 : vector<16xf32>
      %parallel_loop3A_124 = arith.constant 763.165466 : f32
      %parallel_loop3A_125 = vector.broadcast %parallel_loop3A_124 : f32 to vector<16xf32>
      %parallel_loop3A_126 = arith.addf %parallel_loop3A_123, %parallel_loop3A_125 : vector<16xf32>
      %parallel_loop3A_127 = arith.mulf %parallel_loop3A_126, %parallel_loop3A_81 : vector<16xf32>
      %parallel_loop3A_128 = arith.constant 4195.15625 : f32
      %parallel_loop3A_129 = vector.broadcast %parallel_loop3A_128 : f32 to vector<16xf32>
      %parallel_loop3A_130 = arith.addf %parallel_loop3A_127, %parallel_loop3A_129 : vector<16xf32>
      %parallel_loop3A_131 = arith.mulf %parallel_loop3A_130, %parallel_loop3A_81 : vector<16xf32>
      %parallel_loop3A_132 = arith.constant 2863.00098 : f32
      %parallel_loop3A_133 = vector.broadcast %parallel_loop3A_132 : f32 to vector<16xf32>
      %parallel_loop3A_134 = arith.addf %parallel_loop3A_131, %parallel_loop3A_133 : vector<16xf32>
      %parallel_loop3A_135 = arith.mulf %parallel_loop3A_80, %parallel_loop3A_134 : vector<16xf32>
      %parallel_loop3A_136 = arith.addf %parallel_loop3A_120, %parallel_loop3A_135 : vector<16xf32>
      %parallel_loop3A_137 = arith.subf %parallel_loop3A_135, %parallel_loop3A_120 : vector<16xf32>
      %parallel_loop3A_138 = arith.constant 0.000000e+00 : f32
      %parallel_loop3A_139 = vector.broadcast %parallel_loop3A_138 : f32 to vector<16xf32>
      %parallel_loop3A_140 = arith.cmpf ogt, %parallel_loop3A_74, %parallel_loop3A_139 : vector<16xf32>
      %parallel_loop3A_141 = arith.constant 0.000000e+00 : f32
      %parallel_loop3A_142 = vector.broadcast %parallel_loop3A_141 : f32 to vector<16xf32>
      %parallel_loop3A_143 = arith.select %parallel_loop3A_140, %parallel_loop3A_136, %parallel_loop3A_142 : vector<16xi1>, vector<16xf32>
      %parallel_loop3A_144 = arith.constant 0 : i32
      %parallel_loop3A_145 = vector.broadcast %parallel_loop3A_144 : i32 to vector<16xi32>
      %parallel_loop3A_146 = arith.addi %parallel_loop3A_84, %parallel_loop3A_145 : vector<16xi32>
      %parallel_loop3A_147 = arith.constant 8191 : i32
      %parallel_loop3A_148 = vector.broadcast %parallel_loop3A_147 : i32 to vector<16xi32>
      %parallel_loop3A_149 = arith.andi %parallel_loop3A_146, %parallel_loop3A_148 : vector<16xi32>
      %parallel_loop3A_150 = tpu.vector_load_idx %arg7[%parallel_loop3A_149] : memref<8192xf32, #tpu.memory_space<vmem>>[vector<16xi32>], vector<16xf32>,
      %parallel_loop3A_151 = arith.mulf %parallel_loop3A_143, %parallel_loop3A_150 : vector<16xf32>
      %parallel_loop3A_152 = arith.addf %parallel_loop3A_96, %parallel_loop3A_151 : vector<16xf32>
      %parallel_loop3A_153 = tpu.vector_load_idx %arg8[%parallel_loop3A_149] : memref<8192xf32, #tpu.memory_space<vmem>>[vector<16xi32>], vector<16xf32>,
      %parallel_loop3A_154 = arith.mulf %parallel_loop3A_143, %parallel_loop3A_153 : vector<16xf32>
      %parallel_loop3A_155 = arith.addf %parallel_loop3A_98, %parallel_loop3A_154 : vector<16xf32>
      %parallel_loop3A_156 = tpu.vector_load_idx %arg9[%parallel_loop3A_149] : memref<8192xf32, #tpu.memory_space<vmem>>[vector<16xi32>], vector<16xf32>,
      %parallel_loop3A_157 = arith.mulf %parallel_loop3A_143, %parallel_loop3A_156 : vector<16xf32>
      %parallel_loop3A_158 = arith.addf %parallel_loop3A_100, %parallel_loop3A_157 : vector<16xf32>
      %parallel_loop3A_159 = tpu.vector_load_idx %arg10[%parallel_loop3A_149] : memref<8192xf32, #tpu.memory_space<vmem>>[vector<16xi32>], vector<16xf32>,
      %parallel_loop3A_160 = arith.mulf %parallel_loop3A_143, %parallel_loop3A_159 : vector<16xf32>
      %parallel_loop3A_161 = arith.addf %parallel_loop3A_102, %parallel_loop3A_160 : vector<16xf32>
      %parallel_loop3A_162 = arith.constant 7 : i32
      %parallel_loop3A_163 = vector.broadcast %parallel_loop3A_162 : i32 to vector<16xi32>
      %parallel_loop3A_164 = arith.addi %parallel_loop3A_84, %parallel_loop3A_163 : vector<16xi32>
      %parallel_loop3A_165 = arith.constant 8191 : i32
      %parallel_loop3A_166 = vector.broadcast %parallel_loop3A_165 : i32 to vector<16xi32>
      %parallel_loop3A_167 = arith.andi %parallel_loop3A_164, %parallel_loop3A_166 : vector<16xi32>
      %parallel_loop3A_168 = tpu.vector_load_idx %arg7[%parallel_loop3A_167] : memref<8192xf32, #tpu.memory_space<vmem>>[vector<16xi32>], vector<16xf32>,
      %parallel_loop3A_169 = arith.mulf %parallel_loop3A_137, %parallel_loop3A_168 : vector<16xf32>
      %parallel_loop3A_170 = arith.addf %parallel_loop3A_152, %parallel_loop3A_169 : vector<16xf32>
      %parallel_loop3A_171 = tpu.vector_load_idx %arg8[%parallel_loop3A_167] : memref<8192xf32, #tpu.memory_space<vmem>>[vector<16xi32>], vector<16xf32>,
      %parallel_loop3A_172 = arith.mulf %parallel_loop3A_137, %parallel_loop3A_171 : vector<16xf32>
      %parallel_loop3A_173 = arith.addf %parallel_loop3A_155, %parallel_loop3A_172 : vector<16xf32>
      %parallel_loop3A_174 = tpu.vector_load_idx %arg9[%parallel_loop3A_167] : memref<8192xf32, #tpu.memory_space<vmem>>[vector<16xi32>], vector<16xf32>,
      %parallel_loop3A_175 = arith.mulf %parallel_loop3A_137, %parallel_loop3A_174 : vector<16xf32>
      %parallel_loop3A_176 = arith.addf %parallel_loop3A_158, %parallel_loop3A_175 : vector<16xf32>
      %parallel_loop3A_177 = tpu.vector_load_idx %arg10[%parallel_loop3A_167] : memref<8192xf32, #tpu.memory_space<vmem>>[vector<16xi32>], vector<16xf32>,
      %parallel_loop3A_178 = arith.mulf %parallel_loop3A_137, %parallel_loop3A_177 : vector<16xf32>
      %parallel_loop3A_179 = arith.addf %parallel_loop3A_161, %parallel_loop3A_178 : vector<16xf32>
      %parallel_loop3A_180 = arith.constant -17.1247826 : f32
      %parallel_loop3A_181 = vector.broadcast %parallel_loop3A_180 : f32 to vector<16xf32>
      %parallel_loop3A_182 = arith.mulf %parallel_loop3A_181, %parallel_loop3A_81 : vector<16xf32>
      %parallel_loop3A_183 = arith.constant 679.215332 : f32
      %parallel_loop3A_184 = vector.broadcast %parallel_loop3A_183 : f32 to vector<16xf32>
      %parallel_loop3A_185 = arith.addf %parallel_loop3A_182, %parallel_loop3A_184 : vector<16xf32>
      %parallel_loop3A_186 = arith.mulf %parallel_loop3A_185, %parallel_loop3A_81 : vector<16xf32>
      %parallel_loop3A_187 = arith.constant -7072.53711 : f32
      %parallel_loop3A_188 = vector.broadcast %parallel_loop3A_187 : f32 to vector<16xf32>
      %parallel_loop3A_189 = arith.addf %parallel_loop3A_186, %parallel_loop3A_188 : vector<16xf32>
      %parallel_loop3A_190 = arith.mulf %parallel_loop3A_189, %parallel_loop3A_81 : vector<16xf32>
      %parallel_loop3A_191 = arith.constant -158470.781 : f32
      %parallel_loop3A_192 = vector.broadcast %parallel_loop3A_191 : f32 to vector<16xf32>
      %parallel_loop3A_193 = arith.addf %parallel_loop3A_190, %parallel_loop3A_192 : vector<16xf32>
      %parallel_loop3A_194 = arith.mulf %parallel_loop3A_193, %parallel_loop3A_81 : vector<16xf32>
      %parallel_loop3A_195 = arith.constant -125231.484 : f32
      %parallel_loop3A_196 = vector.broadcast %parallel_loop3A_195 : f32 to vector<16xf32>
      %parallel_loop3A_197 = arith.addf %parallel_loop3A_194, %parallel_loop3A_196 : vector<16xf32>
      %parallel_loop3A_198 = arith.constant 38.1682472 : f32
      %parallel_loop3A_199 = vector.broadcast %parallel_loop3A_198 : f32 to vector<16xf32>
      %parallel_loop3A_200 = arith.mulf %parallel_loop3A_199, %parallel_loop3A_81 : vector<16xf32>
      %parallel_loop3A_201 = arith.constant 1606.31421 : f32
      %parallel_loop3A_202 = vector.broadcast %parallel_loop3A_201 : f32 to vector<16xf32>
      %parallel_loop3A_203 = arith.addf %parallel_loop3A_200, %parallel_loop3A_202 : vector<16xf32>
      %parallel_loop3A_204 = arith.mulf %parallel_loop3A_203, %parallel_loop3A_81 : vector<16xf32>
      %parallel_loop3A_205 = arith.constant -55937.293 : f32
      %parallel_loop3A_206 = vector.broadcast %parallel_loop3A_205 : f32 to vector<16xf32>
      %parallel_loop3A_207 = arith.addf %parallel_loop3A_204, %parallel_loop3A_206 : vector<16xf32>
      %parallel_loop3A_208 = arith.mulf %parallel_loop3A_207, %parallel_loop3A_81 : vector<16xf32>
      %parallel_loop3A_209 = arith.constant -220189.422 : f32
      %parallel_loop3A_210 = vector.broadcast %parallel_loop3A_209 : f32 to vector<16xf32>
      %parallel_loop3A_211 = arith.addf %parallel_loop3A_208, %parallel_loop3A_210 : vector<16xf32>
      %parallel_loop3A_212 = arith.mulf %parallel_loop3A_80, %parallel_loop3A_211 : vector<16xf32>
      %parallel_loop3A_213 = arith.addf %parallel_loop3A_197, %parallel_loop3A_212 : vector<16xf32>
      %parallel_loop3A_214 = arith.subf %parallel_loop3A_212, %parallel_loop3A_197 : vector<16xf32>
      %parallel_loop3A_215 = arith.constant 1 : i32
      %parallel_loop3A_216 = vector.broadcast %parallel_loop3A_215 : i32 to vector<16xi32>
      %parallel_loop3A_217 = arith.addi %parallel_loop3A_84, %parallel_loop3A_216 : vector<16xi32>
      %parallel_loop3A_218 = arith.constant 8191 : i32
      %parallel_loop3A_219 = vector.broadcast %parallel_loop3A_218 : i32 to vector<16xi32>
      %parallel_loop3A_220 = arith.andi %parallel_loop3A_217, %parallel_loop3A_219 : vector<16xi32>
      %parallel_loop3A_221 = tpu.vector_load_idx %arg7[%parallel_loop3A_220] : memref<8192xf32, #tpu.memory_space<vmem>>[vector<16xi32>], vector<16xf32>,
      %parallel_loop3A_222 = arith.mulf %parallel_loop3A_213, %parallel_loop3A_221 : vector<16xf32>
      %parallel_loop3A_223 = arith.addf %parallel_loop3A_170, %parallel_loop3A_222 : vector<16xf32>
      %parallel_loop3A_224 = tpu.vector_load_idx %arg8[%parallel_loop3A_220] : memref<8192xf32, #tpu.memory_space<vmem>>[vector<16xi32>], vector<16xf32>,
      %parallel_loop3A_225 = arith.mulf %parallel_loop3A_213, %parallel_loop3A_224 : vector<16xf32>
      %parallel_loop3A_226 = arith.addf %parallel_loop3A_173, %parallel_loop3A_225 : vector<16xf32>
      %parallel_loop3A_227 = tpu.vector_load_idx %arg9[%parallel_loop3A_220] : memref<8192xf32, #tpu.memory_space<vmem>>[vector<16xi32>], vector<16xf32>,
      %parallel_loop3A_228 = arith.mulf %parallel_loop3A_213, %parallel_loop3A_227 : vector<16xf32>
      %parallel_loop3A_229 = arith.addf %parallel_loop3A_176, %parallel_loop3A_228 : vector<16xf32>
      %parallel_loop3A_230 = tpu.vector_load_idx %arg10[%parallel_loop3A_220] : memref<8192xf32, #tpu.memory_space<vmem>>[vector<16xi32>], vector<16xf32>,
      %parallel_loop3A_231 = arith.mulf %parallel_loop3A_213, %parallel_loop3A_230 : vector<16xf32>
      %parallel_loop3A_232 = arith.addf %parallel_loop3A_179, %parallel_loop3A_231 : vector<16xf32>
      %parallel_loop3A_233 = arith.constant 6 : i32
      %parallel_loop3A_234 = vector.broadcast %parallel_loop3A_233 : i32 to vector<16xi32>
      %parallel_loop3A_235 = arith.addi %parallel_loop3A_84, %parallel_loop3A_234 : vector<16xi32>
      %parallel_loop3A_236 = arith.constant 8191 : i32
      %parallel_loop3A_237 = vector.broadcast %parallel_loop3A_236 : i32 to vector<16xi32>
      %parallel_loop3A_238 = arith.andi %parallel_loop3A_235, %parallel_loop3A_237 : vector<16xi32>
      %parallel_loop3A_239 = tpu.vector_load_idx %arg7[%parallel_loop3A_238] : memref<8192xf32, #tpu.memory_space<vmem>>[vector<16xi32>], vector<16xf32>,
      %parallel_loop3A_240 = arith.mulf %parallel_loop3A_214, %parallel_loop3A_239 : vector<16xf32>
      %parallel_loop3A_241 = arith.addf %parallel_loop3A_223, %parallel_loop3A_240 : vector<16xf32>
      %parallel_loop3A_242 = tpu.vector_load_idx %arg8[%parallel_loop3A_238] : memref<8192xf32, #tpu.memory_space<vmem>>[vector<16xi32>], vector<16xf32>,
      %parallel_loop3A_243 = arith.mulf %parallel_loop3A_214, %parallel_loop3A_242 : vector<16xf32>
      %parallel_loop3A_244 = arith.addf %parallel_loop3A_226, %parallel_loop3A_243 : vector<16xf32>
      %parallel_loop3A_245 = tpu.vector_load_idx %arg9[%parallel_loop3A_238] : memref<8192xf32, #tpu.memory_space<vmem>>[vector<16xi32>], vector<16xf32>,
      %parallel_loop3A_246 = arith.mulf %parallel_loop3A_214, %parallel_loop3A_245 : vector<16xf32>
      %parallel_loop3A_247 = arith.addf %parallel_loop3A_229, %parallel_loop3A_246 : vector<16xf32>
      %parallel_loop3A_248 = tpu.vector_load_idx %arg10[%parallel_loop3A_238] : memref<8192xf32, #tpu.memory_space<vmem>>[vector<16xi32>], vector<16xf32>,
      %parallel_loop3A_249 = arith.mulf %parallel_loop3A_214, %parallel_loop3A_248 : vector<16xf32>
      %parallel_loop3A_250 = arith.addf %parallel_loop3A_232, %parallel_loop3A_249 : vector<16xf32>
      %parallel_loop3A_251 = arith.constant -23.3332043 : f32
      %parallel_loop3A_252 = vector.broadcast %parallel_loop3A_251 : f32 to vector<16xf32>
      %parallel_loop3A_253 = arith.mulf %parallel_loop3A_252, %parallel_loop3A_81 : vector<16xf32>
      %parallel_loop3A_254 = arith.constant 1252.98486 : f32
      %parallel_loop3A_255 = vector.broadcast %parallel_loop3A_254 : f32 to vector<16xf32>
      %parallel_loop3A_256 = arith.addf %parallel_loop3A_253, %parallel_loop3A_255 : vector<16xf32>
      %parallel_loop3A_257 = arith.mulf %parallel_loop3A_256, %parallel_loop3A_81 : vector<16xf32>
      %parallel_loop3A_258 = arith.constant -34989.0391 : f32
      %parallel_loop3A_259 = vector.broadcast %parallel_loop3A_258 : f32 to vector<16xf32>
      %parallel_loop3A_260 = arith.addf %parallel_loop3A_257, %parallel_loop3A_259 : vector<16xf32>
      %parallel_loop3A_261 = arith.mulf %parallel_loop3A_260, %parallel_loop3A_81 : vector<16xf32>
      %parallel_loop3A_262 = arith.constant 384623.844 : f32
      %parallel_loop3A_263 = vector.broadcast %parallel_loop3A_262 : f32 to vector<16xf32>
      %parallel_loop3A_264 = arith.addf %parallel_loop3A_261, %parallel_loop3A_263 : vector<16xf32>
      %parallel_loop3A_265 = arith.mulf %parallel_loop3A_264, %parallel_loop3A_81 : vector<16xf32>
      %parallel_loop3A_266 = arith.constant 0x49CB4D80 : f32
      %parallel_loop3A_267 = vector.broadcast %parallel_loop3A_266 : f32 to vector<16xf32>
      %parallel_loop3A_268 = arith.addf %parallel_loop3A_265, %parallel_loop3A_267 : vector<16xf32>
      %parallel_loop3A_269 = arith.constant 192.700317 : f32
      %parallel_loop3A_270 = vector.broadcast %parallel_loop3A_269 : f32 to vector<16xf32>
      %parallel_loop3A_271 = arith.mulf %parallel_loop3A_270, %parallel_loop3A_81 : vector<16xf32>
      %parallel_loop3A_272 = arith.constant -2613.50928 : f32
      %parallel_loop3A_273 = vector.broadcast %parallel_loop3A_272 : f32 to vector<16xf32>
      %parallel_loop3A_274 = arith.addf %parallel_loop3A_271, %parallel_loop3A_273 : vector<16xf32>
      %parallel_loop3A_275 = arith.mulf %parallel_loop3A_274, %parallel_loop3A_81 : vector<16xf32>
      %parallel_loop3A_276 = arith.constant -42402.9492 : f32
      %parallel_loop3A_277 = vector.broadcast %parallel_loop3A_276 : f32 to vector<16xf32>
      %parallel_loop3A_278 = arith.addf %parallel_loop3A_275, %parallel_loop3A_277 : vector<16xf32>
      %parallel_loop3A_279 = arith.mulf %parallel_loop3A_278, %parallel_loop3A_81 : vector<16xf32>
      %parallel_loop3A_280 = arith.constant 1496549.25 : f32
      %parallel_loop3A_281 = vector.broadcast %parallel_loop3A_280 : f32 to vector<16xf32>
      %parallel_loop3A_282 = arith.addf %parallel_loop3A_279, %parallel_loop3A_281 : vector<16xf32>
      %parallel_loop3A_283 = arith.mulf %parallel_loop3A_80, %parallel_loop3A_282 : vector<16xf32>
      %parallel_loop3A_284 = arith.addf %parallel_loop3A_268, %parallel_loop3A_283 : vector<16xf32>
      %parallel_loop3A_285 = arith.subf %parallel_loop3A_283, %parallel_loop3A_268 : vector<16xf32>
      %parallel_loop3A_286 = arith.constant 2 : i32
      %parallel_loop3A_287 = vector.broadcast %parallel_loop3A_286 : i32 to vector<16xi32>
      %parallel_loop3A_288 = arith.addi %parallel_loop3A_84, %parallel_loop3A_287 : vector<16xi32>
      %parallel_loop3A_289 = arith.constant 8191 : i32
      %parallel_loop3A_290 = vector.broadcast %parallel_loop3A_289 : i32 to vector<16xi32>
      %parallel_loop3A_291 = arith.andi %parallel_loop3A_288, %parallel_loop3A_290 : vector<16xi32>
      %parallel_loop3A_292 = tpu.vector_load_idx %arg7[%parallel_loop3A_291] : memref<8192xf32, #tpu.memory_space<vmem>>[vector<16xi32>], vector<16xf32>,
      %parallel_loop3A_293 = arith.mulf %parallel_loop3A_284, %parallel_loop3A_292 : vector<16xf32>
      %parallel_loop3A_294 = arith.addf %parallel_loop3A_241, %parallel_loop3A_293 : vector<16xf32>
      %parallel_loop3A_295 = tpu.vector_load_idx %arg8[%parallel_loop3A_291] : memref<8192xf32, #tpu.memory_space<vmem>>[vector<16xi32>], vector<16xf32>,
      %parallel_loop3A_296 = arith.mulf %parallel_loop3A_284, %parallel_loop3A_295 : vector<16xf32>
      %parallel_loop3A_297 = arith.addf %parallel_loop3A_244, %parallel_loop3A_296 : vector<16xf32>
      %parallel_loop3A_298 = tpu.vector_load_idx %arg9[%parallel_loop3A_291] : memref<8192xf32, #tpu.memory_space<vmem>>[vector<16xi32>], vector<16xf32>,
      %parallel_loop3A_299 = arith.mulf %parallel_loop3A_284, %parallel_loop3A_298 : vector<16xf32>
      %parallel_loop3A_300 = arith.addf %parallel_loop3A_247, %parallel_loop3A_299 : vector<16xf32>
      %parallel_loop3A_301 = tpu.vector_load_idx %arg10[%parallel_loop3A_291] : memref<8192xf32, #tpu.memory_space<vmem>>[vector<16xi32>], vector<16xf32>,
      %parallel_loop3A_302 = arith.mulf %parallel_loop3A_284, %parallel_loop3A_301 : vector<16xf32>
      %parallel_loop3A_303 = arith.addf %parallel_loop3A_250, %parallel_loop3A_302 : vector<16xf32>
      %parallel_loop3A_304 = arith.constant 5 : i32
      %parallel_loop3A_305 = vector.broadcast %parallel_loop3A_304 : i32 to vector<16xi32>
      %parallel_loop3A_306 = arith.addi %parallel_loop3A_84, %parallel_loop3A_305 : vector<16xi32>
      %parallel_loop3A_307 = arith.constant 8191 : i32
      %parallel_loop3A_308 = vector.broadcast %parallel_loop3A_307 : i32 to vector<16xi32>
      %parallel_loop3A_309 = arith.andi %parallel_loop3A_306, %parallel_loop3A_308 : vector<16xi32>
      %parallel_loop3A_310 = tpu.vector_load_idx %arg7[%parallel_loop3A_309] : memref<8192xf32, #tpu.memory_space<vmem>>[vector<16xi32>], vector<16xf32>,
      %parallel_loop3A_311 = arith.mulf %parallel_loop3A_285, %parallel_loop3A_310 : vector<16xf32>
      %parallel_loop3A_312 = arith.addf %parallel_loop3A_294, %parallel_loop3A_311 : vector<16xf32>
      %parallel_loop3A_313 = tpu.vector_load_idx %arg8[%parallel_loop3A_309] : memref<8192xf32, #tpu.memory_space<vmem>>[vector<16xi32>], vector<16xf32>,
      %parallel_loop3A_314 = arith.mulf %parallel_loop3A_285, %parallel_loop3A_313 : vector<16xf32>
      %parallel_loop3A_315 = arith.addf %parallel_loop3A_297, %parallel_loop3A_314 : vector<16xf32>
      %parallel_loop3A_316 = tpu.vector_load_idx %arg9[%parallel_loop3A_309] : memref<8192xf32, #tpu.memory_space<vmem>>[vector<16xi32>], vector<16xf32>,
      %parallel_loop3A_317 = arith.mulf %parallel_loop3A_285, %parallel_loop3A_316 : vector<16xf32>
      %parallel_loop3A_318 = arith.addf %parallel_loop3A_300, %parallel_loop3A_317 : vector<16xf32>
      %parallel_loop3A_319 = tpu.vector_load_idx %arg10[%parallel_loop3A_309] : memref<8192xf32, #tpu.memory_space<vmem>>[vector<16xi32>], vector<16xf32>,
      %parallel_loop3A_320 = arith.mulf %parallel_loop3A_285, %parallel_loop3A_319 : vector<16xf32>
      %parallel_loop3A_321 = arith.addf %parallel_loop3A_303, %parallel_loop3A_320 : vector<16xf32>
      %parallel_loop3A_322 = arith.constant -11.5302362 : f32
      %parallel_loop3A_323 = vector.broadcast %parallel_loop3A_322 : f32 to vector<16xf32>
      %parallel_loop3A_324 = arith.mulf %parallel_loop3A_323, %parallel_loop3A_81 : vector<16xf32>
      %parallel_loop3A_325 = arith.constant 702.284363 : f32
      %parallel_loop3A_326 = vector.broadcast %parallel_loop3A_325 : f32 to vector<16xf32>
      %parallel_loop3A_327 = arith.addf %parallel_loop3A_324, %parallel_loop3A_326 : vector<16xf32>
      %parallel_loop3A_328 = arith.mulf %parallel_loop3A_327, %parallel_loop3A_81 : vector<16xf32>
      %parallel_loop3A_329 = arith.constant -25617.2051 : f32
      %parallel_loop3A_330 = vector.broadcast %parallel_loop3A_329 : f32 to vector<16xf32>
      %parallel_loop3A_331 = arith.addf %parallel_loop3A_328, %parallel_loop3A_330 : vector<16xf32>
      %parallel_loop3A_332 = arith.mulf %parallel_loop3A_331, %parallel_loop3A_81 : vector<16xf32>
      %parallel_loop3A_333 = arith.constant 547734.313 : f32
      %parallel_loop3A_334 = vector.broadcast %parallel_loop3A_333 : f32 to vector<16xf32>
      %parallel_loop3A_335 = arith.addf %parallel_loop3A_332, %parallel_loop3A_334 : vector<16xf32>
      %parallel_loop3A_336 = arith.mulf %parallel_loop3A_335, %parallel_loop3A_81 : vector<16xf32>
      %parallel_loop3A_337 = arith.constant -5311669.5 : f32
      %parallel_loop3A_338 = vector.broadcast %parallel_loop3A_337 : f32 to vector<16xf32>
      %parallel_loop3A_339 = arith.addf %parallel_loop3A_336, %parallel_loop3A_338 : vector<16xf32>
      %parallel_loop3A_340 = arith.constant 367.126587 : f32
      %parallel_loop3A_341 = vector.broadcast %parallel_loop3A_340 : f32 to vector<16xf32>
      %parallel_loop3A_342 = arith.mulf %parallel_loop3A_341, %parallel_loop3A_81 : vector<16xf32>
      %parallel_loop3A_343 = arith.constant -10540.3496 : f32
      %parallel_loop3A_344 = vector.broadcast %parallel_loop3A_343 : f32 to vector<16xf32>
      %parallel_loop3A_345 = arith.addf %parallel_loop3A_342, %parallel_loop3A_344 : vector<16xf32>
      %parallel_loop3A_346 = arith.mulf %parallel_loop3A_345, %parallel_loop3A_81 : vector<16xf32>
      %parallel_loop3A_347 = arith.constant 1.818280e+05 : f32
      %parallel_loop3A_348 = vector.broadcast %parallel_loop3A_347 : f32 to vector<16xf32>
      %parallel_loop3A_349 = arith.addf %parallel_loop3A_346, %parallel_loop3A_348 : vector<16xf32>
      %parallel_loop3A_350 = arith.mulf %parallel_loop3A_349, %parallel_loop3A_81 : vector<16xf32>
      %parallel_loop3A_351 = arith.constant -1492470.38 : f32
      %parallel_loop3A_352 = vector.broadcast %parallel_loop3A_351 : f32 to vector<16xf32>
      %parallel_loop3A_353 = arith.addf %parallel_loop3A_350, %parallel_loop3A_352 : vector<16xf32>
      %parallel_loop3A_354 = arith.mulf %parallel_loop3A_80, %parallel_loop3A_353 : vector<16xf32>
      %parallel_loop3A_355 = arith.addf %parallel_loop3A_339, %parallel_loop3A_354 : vector<16xf32>
      %parallel_loop3A_356 = arith.subf %parallel_loop3A_354, %parallel_loop3A_339 : vector<16xf32>
      %parallel_loop3A_357 = arith.constant 3 : i32
      %parallel_loop3A_358 = vector.broadcast %parallel_loop3A_357 : i32 to vector<16xi32>
      %parallel_loop3A_359 = arith.addi %parallel_loop3A_84, %parallel_loop3A_358 : vector<16xi32>
      %parallel_loop3A_360 = arith.constant 8191 : i32
      %parallel_loop3A_361 = vector.broadcast %parallel_loop3A_360 : i32 to vector<16xi32>
      %parallel_loop3A_362 = arith.andi %parallel_loop3A_359, %parallel_loop3A_361 : vector<16xi32>
      %parallel_loop3A_363 = tpu.vector_load_idx %arg7[%parallel_loop3A_362] : memref<8192xf32, #tpu.memory_space<vmem>>[vector<16xi32>], vector<16xf32>,
      %parallel_loop3A_364 = arith.mulf %parallel_loop3A_355, %parallel_loop3A_363 : vector<16xf32>
      %parallel_loop3A_365 = arith.addf %parallel_loop3A_312, %parallel_loop3A_364 : vector<16xf32>
      %parallel_loop3A_366 = tpu.vector_load_idx %arg8[%parallel_loop3A_362] : memref<8192xf32, #tpu.memory_space<vmem>>[vector<16xi32>], vector<16xf32>,
      %parallel_loop3A_367 = arith.mulf %parallel_loop3A_355, %parallel_loop3A_366 : vector<16xf32>
      %parallel_loop3A_368 = arith.addf %parallel_loop3A_315, %parallel_loop3A_367 : vector<16xf32>
      %parallel_loop3A_369 = tpu.vector_load_idx %arg9[%parallel_loop3A_362] : memref<8192xf32, #tpu.memory_space<vmem>>[vector<16xi32>], vector<16xf32>,
      %parallel_loop3A_370 = arith.mulf %parallel_loop3A_355, %parallel_loop3A_369 : vector<16xf32>
      %parallel_loop3A_371 = arith.addf %parallel_loop3A_318, %parallel_loop3A_370 : vector<16xf32>
      %parallel_loop3A_372 = tpu.vector_load_idx %arg10[%parallel_loop3A_362] : memref<8192xf32, #tpu.memory_space<vmem>>[vector<16xi32>], vector<16xf32>,
      %parallel_loop3A_373 = arith.mulf %parallel_loop3A_355, %parallel_loop3A_372 : vector<16xf32>
      %parallel_loop3A_374 = arith.addf %parallel_loop3A_321, %parallel_loop3A_373 : vector<16xf32>
      %parallel_loop3A_375 = arith.constant 4 : i32
      %parallel_loop3A_376 = vector.broadcast %parallel_loop3A_375 : i32 to vector<16xi32>
      %parallel_loop3A_377 = arith.addi %parallel_loop3A_84, %parallel_loop3A_376 : vector<16xi32>
      %parallel_loop3A_378 = arith.constant 8191 : i32
      %parallel_loop3A_379 = vector.broadcast %parallel_loop3A_378 : i32 to vector<16xi32>
      %parallel_loop3A_380 = arith.andi %parallel_loop3A_377, %parallel_loop3A_379 : vector<16xi32>
      %parallel_loop3A_381 = tpu.vector_load_idx %arg7[%parallel_loop3A_380] : memref<8192xf32, #tpu.memory_space<vmem>>[vector<16xi32>], vector<16xf32>,
      %parallel_loop3A_382 = arith.mulf %parallel_loop3A_356, %parallel_loop3A_381 : vector<16xf32>
      %parallel_loop3A_383 = arith.addf %parallel_loop3A_365, %parallel_loop3A_382 : vector<16xf32>
      %parallel_loop3A_384 = tpu.vector_load_idx %arg8[%parallel_loop3A_380] : memref<8192xf32, #tpu.memory_space<vmem>>[vector<16xi32>], vector<16xf32>,
      %parallel_loop3A_385 = arith.mulf %parallel_loop3A_356, %parallel_loop3A_384 : vector<16xf32>
      %parallel_loop3A_386 = arith.addf %parallel_loop3A_368, %parallel_loop3A_385 : vector<16xf32>
      %parallel_loop3A_387 = tpu.vector_load_idx %arg9[%parallel_loop3A_380] : memref<8192xf32, #tpu.memory_space<vmem>>[vector<16xi32>], vector<16xf32>,
      %parallel_loop3A_388 = arith.mulf %parallel_loop3A_356, %parallel_loop3A_387 : vector<16xf32>
      %parallel_loop3A_389 = arith.addf %parallel_loop3A_371, %parallel_loop3A_388 : vector<16xf32>
      %parallel_loop3A_390 = tpu.vector_load_idx %arg10[%parallel_loop3A_380] : memref<8192xf32, #tpu.memory_space<vmem>>[vector<16xi32>], vector<16xf32>,
      %parallel_loop3A_391 = arith.mulf %parallel_loop3A_356, %parallel_loop3A_390 : vector<16xf32>
      %parallel_loop3A_392 = arith.addf %parallel_loop3A_374, %parallel_loop3A_391 : vector<16xf32>
      %parallel_loop3A_393 = arith.mulf %parallel_loop3A_94, %parallel_loop3A_383 : vector<16xf32>
      %parallel_loop3A_394 = arith.index_cast %parallel_loop3A_60 : i32 to index
      %parallel_loop3A_395 = tpu.vector_load %arg12[%parallel_loop3A_394] {strides = array<i32>} : memref<8192xf32, #tpu.memory_space<vmem>>, vector<16xf32>,
      tpu.vector_store %arg12[%parallel_loop3A_394], %parallel_loop3A_393 {strides = array<i32>} : memref<8192xf32, #tpu.memory_space<vmem>>, vector<16xf32>,
      %parallel_loop3A_396 = arith.mulf %parallel_loop3A_94, %parallel_loop3A_386 : vector<16xf32>
      %parallel_loop3A_397 = arith.index_cast %parallel_loop3A_60 : i32 to index
      %parallel_loop3A_398 = tpu.vector_load %arg13[%parallel_loop3A_397] {strides = array<i32>} : memref<8192xf32, #tpu.memory_space<vmem>>, vector<16xf32>,
      tpu.vector_store %arg13[%parallel_loop3A_397], %parallel_loop3A_396 {strides = array<i32>} : memref<8192xf32, #tpu.memory_space<vmem>>, vector<16xf32>,
      %parallel_loop3A_399 = arith.mulf %parallel_loop3A_94, %parallel_loop3A_389 : vector<16xf32>
      %parallel_loop3A_400 = arith.index_cast %parallel_loop3A_60 : i32 to index
      %parallel_loop3A_401 = tpu.vector_load %arg14[%parallel_loop3A_400] {strides = array<i32>} : memref<8192xf32, #tpu.memory_space<vmem>>, vector<16xf32>,
      tpu.vector_store %arg14[%parallel_loop3A_400], %parallel_loop3A_399 {strides = array<i32>} : memref<8192xf32, #tpu.memory_space<vmem>>, vector<16xf32>,
      %parallel_loop3A_402 = arith.mulf %parallel_loop3A_94, %parallel_loop3A_392 : vector<16xf32>
      %parallel_loop3A_403 = arith.index_cast %parallel_loop3A_60 : i32 to index
      %parallel_loop3A_404 = tpu.vector_load %arg15[%parallel_loop3A_403] {strides = array<i32>} : memref<8192xf32, #tpu.memory_space<vmem>>, vector<16xf32>,
      tpu.vector_store %arg15[%parallel_loop3A_403], %parallel_loop3A_402 {strides = array<i32>} : memref<8192xf32, #tpu.memory_space<vmem>>, vector<16xf32>,
    } {sc.loop_unroll_factor = 3 : i64, sc.parallel_access}
    %jit3A_35 = arith.constant 8 : i32
    %eq3A = arith.constant 0 : i32
    %eq3A_36 = arith.cmpi eq, %jit3A_35, %eq3A : i32
    %jit3A_37 = arith.constant 1 : i32
    %select_n3A_38 = arith.select %eq3A_36, %jit3A_37, %jit3A_35 : i32
    %rem3A_39 = arith.remsi %add3A, %select_n3A_38 : i32
    %ne3A_40 = arith.constant 0 : i32
    %ne3A_41 = arith.cmpi ne, %rem3A_39, %ne3A_40 : i32
    %lt3A = arith.constant 0 : i32
    %lt3A_42 = arith.cmpi slt, %rem3A_39, %lt3A : i32
    %lt3A_43 = arith.constant 0 : i32
    %lt3A_44 = arith.cmpi slt, %select_n3A_38, %lt3A_43 : i32
    %ne3A_45 = arith.xori %lt3A_42, %lt3A_44 : i1
    %and3A_46 = arith.andi %ne3A_45, %ne3A_41 : i1
    %add3A_47 = arith.addi %rem3A_39, %select_n3A_38 : i32
    %select_n3A_48 = arith.select %and3A_46, %add3A_47, %rem3A_39 : i32
    %mul3A_49 = arith.constant 8192 : i32
    %mul3A_50 = arith.muli %select_n3A_48, %mul3A_49 : i32
    %run_scoped3A = arith.constant 0 : i32
    "tpu.region"() ({
      %run_scoped3A_60 = tpu.sem_alloc : memref<!tpu.dma_semaphore, #tpu.memory_space<semaphore_mem>>
      %dma_start3A = tpu.memref_slice %arg5[%select_n3A, %run_scoped3A, %mul3A_50] : memref<4x2x65536xf32, #tpu.memory_space<hbm>> -> memref<1x1x8192xf32, #tpu.memory_space<hbm>>
      %dma_start3A_61 = tpu.memref_squeeze %dma_start3A : memref<1x1x8192xf32, #tpu.memory_space<hbm>> -> memref<8192xf32, #tpu.memory_space<hbm>>
      %dma_start3A_62 = tpu.memref_slice %arg5[%select_n3A, %run_scoped3A, %mul3A_50] : memref<4x2x65536xf32, #tpu.memory_space<hbm>> -> memref<1x1x8192xf32, #tpu.memory_space<hbm>>
      %dma_start3A_63 = tpu.memref_squeeze %dma_start3A_62 : memref<1x1x8192xf32, #tpu.memory_space<hbm>> -> memref<8192xf32, #tpu.memory_space<hbm>>
      tpu.enqueue_dma source(%arg12 : memref<8192xf32, #tpu.memory_space<vmem>>) target(%dma_start3A_63 : memref<8192xf32, #tpu.memory_space<hbm>>) target_semaphore(%run_scoped3A_60 : memref<!tpu.dma_semaphore, #tpu.memory_space<semaphore_mem>>)
      %dma_wait3A = tpu.memref_slice %arg5[%select_n3A, %run_scoped3A, %mul3A_50] : memref<4x2x65536xf32, #tpu.memory_space<hbm>> -> memref<1x1x8192xf32, #tpu.memory_space<hbm>>
      %dma_wait3A_64 = tpu.memref_squeeze %dma_wait3A : memref<1x1x8192xf32, #tpu.memory_space<hbm>> -> memref<8192xf32, #tpu.memory_space<hbm>>
      %dma_wait3A_65 = tpu.memref_slice %arg5[%select_n3A, %run_scoped3A, %mul3A_50] : memref<4x2x65536xf32, #tpu.memory_space<hbm>> -> memref<1x1x8192xf32, #tpu.memory_space<hbm>>
      %dma_wait3A_66 = tpu.memref_squeeze %dma_wait3A_65 : memref<1x1x8192xf32, #tpu.memory_space<hbm>> -> memref<8192xf32, #tpu.memory_space<hbm>>
      tpu.wait_dma2 semaphore(%run_scoped3A_60 : memref<!tpu.dma_semaphore, #tpu.memory_space<semaphore_mem>>) src(%arg12 : memref<8192xf32, #tpu.memory_space<vmem>>) dst(%dma_wait3A_66 : memref<8192xf32, #tpu.memory_space<hbm>>)
      tpu.yield
    }) : () -> ()
    %mul3A_51 = arith.constant 8192 : i32
    %mul3A_52 = arith.muli %select_n3A_48, %mul3A_51 : i32
    %run_scoped3A_53 = arith.constant 0 : i32
    "tpu.region"() ({
      %run_scoped3A_60 = tpu.sem_alloc : memref<!tpu.dma_semaphore, #tpu.memory_space<semaphore_mem>>
      %dma_start3A = tpu.memref_slice %arg6[%select_n3A, %run_scoped3A_53, %mul3A_52] : memref<4x2x65536xf32, #tpu.memory_space<hbm>> -> memref<1x1x8192xf32, #tpu.memory_space<hbm>>
      %dma_start3A_61 = tpu.memref_squeeze %dma_start3A : memref<1x1x8192xf32, #tpu.memory_space<hbm>> -> memref<8192xf32, #tpu.memory_space<hbm>>
      %dma_start3A_62 = tpu.memref_slice %arg6[%select_n3A, %run_scoped3A_53, %mul3A_52] : memref<4x2x65536xf32, #tpu.memory_space<hbm>> -> memref<1x1x8192xf32, #tpu.memory_space<hbm>>
      %dma_start3A_63 = tpu.memref_squeeze %dma_start3A_62 : memref<1x1x8192xf32, #tpu.memory_space<hbm>> -> memref<8192xf32, #tpu.memory_space<hbm>>
      tpu.enqueue_dma source(%arg13 : memref<8192xf32, #tpu.memory_space<vmem>>) target(%dma_start3A_63 : memref<8192xf32, #tpu.memory_space<hbm>>) target_semaphore(%run_scoped3A_60 : memref<!tpu.dma_semaphore, #tpu.memory_space<semaphore_mem>>)
      %dma_wait3A = tpu.memref_slice %arg6[%select_n3A, %run_scoped3A_53, %mul3A_52] : memref<4x2x65536xf32, #tpu.memory_space<hbm>> -> memref<1x1x8192xf32, #tpu.memory_space<hbm>>
      %dma_wait3A_64 = tpu.memref_squeeze %dma_wait3A : memref<1x1x8192xf32, #tpu.memory_space<hbm>> -> memref<8192xf32, #tpu.memory_space<hbm>>
      %dma_wait3A_65 = tpu.memref_slice %arg6[%select_n3A, %run_scoped3A_53, %mul3A_52] : memref<4x2x65536xf32, #tpu.memory_space<hbm>> -> memref<1x1x8192xf32, #tpu.memory_space<hbm>>
      %dma_wait3A_66 = tpu.memref_squeeze %dma_wait3A_65 : memref<1x1x8192xf32, #tpu.memory_space<hbm>> -> memref<8192xf32, #tpu.memory_space<hbm>>
      tpu.wait_dma2 semaphore(%run_scoped3A_60 : memref<!tpu.dma_semaphore, #tpu.memory_space<semaphore_mem>>) src(%arg13 : memref<8192xf32, #tpu.memory_space<vmem>>) dst(%dma_wait3A_66 : memref<8192xf32, #tpu.memory_space<hbm>>)
      tpu.yield
    }) : () -> ()
    %mul3A_54 = arith.constant 8192 : i32
    %mul3A_55 = arith.muli %select_n3A_48, %mul3A_54 : i32
    %run_scoped3A_56 = arith.constant 1 : i32
    "tpu.region"() ({
      %run_scoped3A_60 = tpu.sem_alloc : memref<!tpu.dma_semaphore, #tpu.memory_space<semaphore_mem>>
      %dma_start3A = tpu.memref_slice %arg5[%select_n3A, %run_scoped3A_56, %mul3A_55] : memref<4x2x65536xf32, #tpu.memory_space<hbm>> -> memref<1x1x8192xf32, #tpu.memory_space<hbm>>
      %dma_start3A_61 = tpu.memref_squeeze %dma_start3A : memref<1x1x8192xf32, #tpu.memory_space<hbm>> -> memref<8192xf32, #tpu.memory_space<hbm>>
      %dma_start3A_62 = tpu.memref_slice %arg5[%select_n3A, %run_scoped3A_56, %mul3A_55] : memref<4x2x65536xf32, #tpu.memory_space<hbm>> -> memref<1x1x8192xf32, #tpu.memory_space<hbm>>
      %dma_start3A_63 = tpu.memref_squeeze %dma_start3A_62 : memref<1x1x8192xf32, #tpu.memory_space<hbm>> -> memref<8192xf32, #tpu.memory_space<hbm>>
      tpu.enqueue_dma source(%arg14 : memref<8192xf32, #tpu.memory_space<vmem>>) target(%dma_start3A_63 : memref<8192xf32, #tpu.memory_space<hbm>>) target_semaphore(%run_scoped3A_60 : memref<!tpu.dma_semaphore, #tpu.memory_space<semaphore_mem>>)
      %dma_wait3A = tpu.memref_slice %arg5[%select_n3A, %run_scoped3A_56, %mul3A_55] : memref<4x2x65536xf32, #tpu.memory_space<hbm>> -> memref<1x1x8192xf32, #tpu.memory_space<hbm>>
      %dma_wait3A_64 = tpu.memref_squeeze %dma_wait3A : memref<1x1x8192xf32, #tpu.memory_space<hbm>> -> memref<8192xf32, #tpu.memory_space<hbm>>
      %dma_wait3A_65 = tpu.memref_slice %arg5[%select_n3A, %run_scoped3A_56, %mul3A_55] : memref<4x2x65536xf32, #tpu.memory_space<hbm>> -> memref<1x1x8192xf32, #tpu.memory_space<hbm>>
      %dma_wait3A_66 = tpu.memref_squeeze %dma_wait3A_65 : memref<1x1x8192xf32, #tpu.memory_space<hbm>> -> memref<8192xf32, #tpu.memory_space<hbm>>
      tpu.wait_dma2 semaphore(%run_scoped3A_60 : memref<!tpu.dma_semaphore, #tpu.memory_space<semaphore_mem>>) src(%arg14 : memref<8192xf32, #tpu.memory_space<vmem>>) dst(%dma_wait3A_66 : memref<8192xf32, #tpu.memory_space<hbm>>)
      tpu.yield
    }) : () -> ()
    %mul3A_57 = arith.constant 8192 : i32
    %mul3A_58 = arith.muli %select_n3A_48, %mul3A_57 : i32
    %run_scoped3A_59 = arith.constant 1 : i32
    "tpu.region"() ({
      %run_scoped3A_60 = tpu.sem_alloc : memref<!tpu.dma_semaphore, #tpu.memory_space<semaphore_mem>>
      %dma_start3A = tpu.memref_slice %arg6[%select_n3A, %run_scoped3A_59, %mul3A_58] : memref<4x2x65536xf32, #tpu.memory_space<hbm>> -> memref<1x1x8192xf32, #tpu.memory_space<hbm>>
      %dma_start3A_61 = tpu.memref_squeeze %dma_start3A : memref<1x1x8192xf32, #tpu.memory_space<hbm>> -> memref<8192xf32, #tpu.memory_space<hbm>>
      %dma_start3A_62 = tpu.memref_slice %arg6[%select_n3A, %run_scoped3A_59, %mul3A_58] : memref<4x2x65536xf32, #tpu.memory_space<hbm>> -> memref<1x1x8192xf32, #tpu.memory_space<hbm>>
      %dma_start3A_63 = tpu.memref_squeeze %dma_start3A_62 : memref<1x1x8192xf32, #tpu.memory_space<hbm>> -> memref<8192xf32, #tpu.memory_space<hbm>>
      tpu.enqueue_dma source(%arg15 : memref<8192xf32, #tpu.memory_space<vmem>>) target(%dma_start3A_63 : memref<8192xf32, #tpu.memory_space<hbm>>) target_semaphore(%run_scoped3A_60 : memref<!tpu.dma_semaphore, #tpu.memory_space<semaphore_mem>>)
      %dma_wait3A = tpu.memref_slice %arg6[%select_n3A, %run_scoped3A_59, %mul3A_58] : memref<4x2x65536xf32, #tpu.memory_space<hbm>> -> memref<1x1x8192xf32, #tpu.memory_space<hbm>>
      %dma_wait3A_64 = tpu.memref_squeeze %dma_wait3A : memref<1x1x8192xf32, #tpu.memory_space<hbm>> -> memref<8192xf32, #tpu.memory_space<hbm>>
      %dma_wait3A_65 = tpu.memref_slice %arg6[%select_n3A, %run_scoped3A_59, %mul3A_58] : memref<4x2x65536xf32, #tpu.memory_space<hbm>> -> memref<1x1x8192xf32, #tpu.memory_space<hbm>>
      %dma_wait3A_66 = tpu.memref_squeeze %dma_wait3A_65 : memref<1x1x8192xf32, #tpu.memory_space<hbm>> -> memref<8192xf32, #tpu.memory_space<hbm>>
      tpu.wait_dma2 semaphore(%run_scoped3A_60 : memref<!tpu.dma_semaphore, #tpu.memory_space<semaphore_mem>>) src(%arg15 : memref<8192xf32, #tpu.memory_space<vmem>>) dst(%dma_wait3A_66 : memref<8192xf32, #tpu.memory_space<hbm>>)
      tpu.yield
    }) : () -> ()
    return
  }
}

</mosaic_0001>

<sc_bundles>
// kernel: kernel.3.cloned.1.call-start
scs
__scs_entry_jumppad:
0x0: {  	(pc) =	sbr.rel $0x88, $3  }
0x1: {  	(tag) =	ssettag $0x0;
	lr =	simm.s32 $0x1  }
0x2: {  	[smem:$0x3F9F] =	sst lr;
	_ =	strace $0xD0000000  }
0x3: {  	_ = 	snop  }
0x4: {  	_ = 	snop  }
0x5: {  	_ = 	snop  }
0x6: {  	_ = 	snop  }
0x7: {  	_ = 	snop  }
__scs_overlays_trampoline_lowered:
0x8: {  	[smem:$0x3FAE] =	sst s0  }
0x9: {  	[smem:$0x3FAF] =	sst s1  }
0xa: {  	[smem:$0x3FB0] =	sst s2  }
0xb: {  	[smem:$0x3FB1] =	sst s3  }
0xc: {  	[smem:$0x3FB2] =	sst s4  }
0xd: {  	[smem:$0x3FB3] =	sst s5  }
0xe: {  	[smem:$0x3FB4] =	sst s6  }
0xf: {  	[smem:$0x3FB5] =	sst s7  }
0x10: {  	[smem:$0x3FB6] =	sst s8  }
0x11: {  	[smem:$0x3FB7] =	sst s9;
	s0 =	simm.s32 @!p0 $0x0  }
0x12: {  	s1 =	sld [smem:$0x3F9D];
	s0 =	simm.s32 @p0 $0x1  }
0x13: {  	[smem:$0x3FB8] =	sst s0;
	s0 =	simm.s32 @!p1 $0x0  }
0x14: {  	s2 =	sld [smem:$0x3F9C];
	s0 =	simm.s32 @p1 $0x1  }
0x15: {  	[smem:$0x3FB9] =	sst s0;
	s0 =	simm.s32 @!p2 $0x0  }
0x16: {  	s3 =	sld [smem:$0x3FDB];
	s0 =	simm.s32 @p2 $0x1  }
0x17: {  	s4 =	simm.s32 $0x1BF5;
	[smem:$0x3FBB] =	sst s0  }
0x18: {  	s0 =	sld [smem:$0x3F9E];
	_ =	swait.ge [sflag:s4], $0x0  }
0x19: {  	s7 =	sld [smem:$0x3F9F]  }
0x1a: {  	s8 =	sadd.s32 $0xFFFFE003, lr  }
0x1b: {  	s9 =	sadd.s32 $0xFFFFFEF7, lr;
	s5 =	simm.s32 $0xFFFFFFFF;
	p2 =	slt.u32 s8, $0xFFFFF086  }
0x1c: {  	p1 =	slt.u32 s9, $0xF7A;
	s5 =	simm.s32 @!p2 $0x0  }
0x1d: {  	s5 =	simm.s32 @p1 $0x1;
	p0 =	seq.s32 s7, s2  }
0x1e: {  	s7 =	smul.u32 @!p0 $0xF7A, s2;
	p2 =	seq.s32 @!p0 s5, $0x0  }
0x1f: {  	s9 =	smul.u32 $0xF7A, s1;
	s8 =	simm.s32 @!p0 $0x1BF5;
	p2 =	por !p2, p0  }
0x20: {  	[sflag:s8] =	ssyncset.s32 @!p0 $0xFFFFF086;
	s6 =	sadd.s32 @!p0 s3, s7;
	s7 =	simm.s32 @!p0 $0x108  }
0x21: {  	s3 =	sadd.s32 s3, s9;
	s6 =	sadd.s32 @!p0 $0x88, s6;
	s7 =	simm.s32 @p2 $0x1082  }
0x22: {  	[simem:s7], [sflag:s8] =	dma.local @!p0 [hbm:s6], $0xF7A  }
0x23: {  	s9 =	sor.u32 $0xD0000000, s2;
	s6 =	simm.s32 $0x108;
	_ =	swait.ge @!p0 [sflag:s8], $0x0  }
0x24: {  	s3 =	sadd.s32 $0x88, s3;
	s6 =	simm.s32 @!p1 $0x1082;
	[sflag:s4] =	ssyncset.s32 $0xFFFFF086  }
0x25: {  	[simem:s6], [sflag:s4] =	dma.local [hbm:s3], $0xF7A  }
0x26: {  	[smem:$0x3F9F] =	sst s1;
	(tag) =	ssettag s2;
	_ =	strace s9  }
0x27: {  	s1 =	sld [smem:$0x3FAF]  }
0x28: {  	s2 =	sld [smem:$0x3FB0]  }
0x29: {  	s4 =	sld [smem:$0x3FB2]  }
0x2a: {  	p0 =	seq.s32 s5, $0x0;
	s5 =	sld [smem:$0x3FB3]  }
0x2b: {  	s6 =	sld [smem:$0x3FB4]  }
0x2c: {  	s7 =	sld [smem:$0x3FB5]  }
0x2d: {  	s3 =	simm.s32 $0x108;
	s8 =	sld [smem:$0x3FB6]  }
0x2e: {  	s3 =	simm.s32 @!p0 $0x1082;
	s9 =	sld [smem:$0x3FB7]  }
0x2f: {  	lr =	sadd.s32 s0, s3;
	s0 =	sld [smem:$0x3FAE]  }
0x30: {  	s3 =	sld [smem:$0x3FB1]  }
0x31: {  	[smem:$0x3FBA] =	sst s10  }
0x32: {  	s10 =	sld [smem:$0x3FB8];
	_ =	sdelay $0x3  }
0x33: {  	p0 =	seq.s32 s10, $0x1;
	s10 =	sld [smem:$0x3FBA];
	_ =	sdelay $0x3  }
0x34: {  	[smem:$0x3FBA] =	sst s10  }
0x35: {  	s10 =	sld [smem:$0x3FB9];
	_ =	sdelay $0x3  }
0x36: {  	p1 =	seq.s32 s10, $0x1;
	s10 =	sld [smem:$0x3FBA];
	_ =	sdelay $0x3  }
0x37: {  	[smem:$0x3FBA] =	sst s10  }
0x38: {  	s10 =	sld [smem:$0x3FBB]  }
0x39: {  	_ = 	snop;
	(pc) =	sbr.ind lr, $3  }
0x3a: {  	_ = 	snop  }
0x3b: {  	_ = 	snop  }
0x3c: {  	p2 =	seq.s32 s10, $0x1;
	s10 =	sld [smem:$0x3FBA]  }
0x3d: {  	_ =	shalt  }
0x3e: {  	_ =	shalt  }
0x3f: {  	_ =	shalt  }
0x40: {  	_ =	shalt  }
0x41: {  	_ =	shalt  }
0x42: {  	_ =	shalt  }
0x43: {  	_ =	shalt  }
0x44: {  	_ =	shalt  }
0x45: {  	_ =	shalt  }
0x46: {  	_ =	shalt  }
0x47: {  	_ =	shalt  }
0x48: {  	_ =	shalt  }
0x49: {  	_ =	shalt  }
0x4a: {  	_ =	shalt  }
0x4b: {  	_ =	shalt  }
0x4c: {  	_ =	shalt  }
0x4d: {  	_ =	shalt  }
0x4e: {  	_ =	shalt  }
0x4f: {  	_ =	shalt  }
0x50: {  	_ =	shalt  }
0x51: {  	_ =	shalt  }
0x52: {  	_ =	shalt  }
0x53: {  	_ =	shalt  }
0x54: {  	_ =	shalt  }
0x55: {  	_ =	shalt  }
0x56: {  	_ =	shalt  }
0x57: {  	_ =	shalt  }
0x58: {  	_ =	shalt  }
0x59: {  	_ =	shalt  }
0x5a: {  	_ =	shalt  }
0x5b: {  	_ =	shalt  }
0x5c: {  	_ =	shalt  }
0x5d: {  	_ =	shalt  }
0x5e: {  	_ =	shalt  }
0x5f: {  	_ =	shalt  }
0x60: {  	_ =	shalt  }
0x61: {  	_ =	shalt  }
0x62: {  	_ =	shalt  }
0x63: {  	_ =	shalt  }
0x64: {  	_ =	shalt  }
0x65: {  	_ =	shalt  }
0x66: {  	_ =	shalt  }
0x67: {  	_ =	shalt  }
0x68: {  	_ =	shalt  }
0x69: {  	_ =	shalt  }
0x6a: {  	_ =	shalt  }
0x6b: {  	_ =	shalt  }
0x6c: {  	_ =	shalt  }
0x6d: {  	_ =	shalt  }
0x6e: {  	_ =	shalt  }
0x6f: {  	_ =	shalt  }
0x70: {  	_ =	shalt  }
0x71: {  	_ =	shalt  }
0x72: {  	_ =	shalt  }
0x73: {  	_ =	shalt  }
0x74: {  	_ =	shalt  }
0x75: {  	_ =	shalt  }
0x76: {  	_ =	shalt  }
0x77: {  	_ =	shalt  }
0x78: {  	_ =	shalt  }
0x79: {  	_ =	shalt  }
0x7a: {  	_ =	shalt  }
0x7b: {  	_ =	shalt  }
0x7c: {  	_ =	shalt  }
0x7d: {  	_ =	shalt  }
0x7e: {  	_ =	shalt  }
0x7f: {  	_ =	shalt  }
0x80: {  	_ =	shalt  }
0x81: {  	_ =	shalt  }
0x82: {  	_ =	shalt  }
0x83: {  	_ =	shalt  }
0x84: {  	_ =	shalt  }
0x85: {  	_ =	shalt  }
0x86: {  	_ =	shalt  }
0x87: {  	_ =	shalt  }
.Lfunc_end0:
.L_simem_size_0:
called_computation_lowered:
.L_overlay_start_0:
0x88: {  	s2 =	sld [smem:$0x3FD9]  }
0x89: {  	s3 =	sld [smem:$0x3FFE];
	_ =	sdelay $0x1  }
0x8a: {  	s1 =	srdreg.scid  }
0x8b: {  	s0 =	sand.u32 $0x1, s1  }
0x8c: {  	s17 =	sshll.u32 s0, $0xA;
	s2 =	sadd.s32 s3, s2  }
0x8d: {  	s2 =	sadd.s32 s2, s17  }
0x8e: {  	[smem:$0x3FC6] =	sst s2  }
0x8f: {  	_ = 	snop  }
0x90: {  	s2 =	sld [smem:$0x3FD0];
	(tm) =	ssettm $0x1  }
0x91: {  	s18 =	sld [smem:$0x3FFB];
	_ =	sdelay $0x3  }
0x92: {  	_ =	strace s18  }
0x93: {  	s3 =	sld [smem:$0x3FFC];
	_ =	sdelay $0x3  }
0x94: {  	_ =	strace s3  }
0x95: {  	s3 =	sld [smem:$0x3FFD];
	_ =	sdelay $0x3  }
0x96: {  	_ =	strace s3  }
0x97: {  	_ =	strace $0x8FFFFFFF  }
0x98: {  	s19 =	sld [smem:$0x3FDB];
	_ =	sdelay $0x1  }
0x99: {  	s4 =	simm.s32 $_scs_section_size  }
0x9a: {  	s5 =	simm.s32 $_size__tile_overlayer_lowered;
	s6 =	simm.s32 $_tile_overlayer_lowered  }
0x9b: {  	s22 =	simm.s32 $0x1BFF;
	s21 =	sshll.u32 s6, $0x1;
	s3 =	sadd.s32 s4, s19  }
0x9c: {  	s7 =	simm.s32 $0x0;
	s20 =	sshll.u32 s5, $0x1;
	s5 =	sadd.s32 s21, s3  }
0x9d: {  	[timem:s7], [sflag:s22] =	dma.local [hbm:s5], s20  }
0x9e: {  	_ =	swait.ge [sflag:s22], s20  }
0x9f: {  	s4 =	ssub.s32 $0x0, s20;
	[sflag:s22] =	ssyncset.done $0x0  }
0xa0: {  	[sflag:s22] =	ssyncadd.s32 s4;
	_ =	sdelay $0x1  }
0xa1: {  	s23 =	simm.s32 $0x1B8B  }
0xa2: {  	_ =	swait.ge [sflag:s23], $0x1  }
0xa3: {  	[sflag:s23] =	ssyncset.done $0x0  }
0xa4: {  	s25 =	simm.s32 $0x1B8E;
	s24 =	sld [smem:$0x3FFE];
	[sflag:s23] =	ssyncadd.s32 $0xFFFFFFFF  }
0xa5: {  	s26 =	simm.s32 $execute0_lowered;
	[smem:$0x3FD2] =	sst s25  }
0xa6: {  	s5 =	sshll.u32 s26, $0x1;
	_ =	strace $0x80000046;
	[dreg:$0x1] =	wrdreg $0xFFFFFFFF  }
0xa7: {  	s28 =	simm.s32 $_size_execute0_lowered;
	s3 =	sadd.s32 s3, s5;
	[dreg:$0x0] =	wrdreg $0x0  }
0xa8: {  	s5 =	sshll.u32 s28, $0x1;
	[dreg:$0x2] =	wrdreg s3  }
0xa9: {  	[dreg:$0x3] =	wrdreg s5  }
0xaa: {  	[dreg:$0x4] =	wrdreg $0xC0  }
0xab: {  	_ =	task [dreg:s7], $0x5FFFF  }
0xac: {  	[dreg:$0x1] =	wrdreg $0xFFFFFFFF  }
0xad: {  	[dreg:$0x0] =	wrdreg $0x60  }
0xae: {  	[dreg:$0x2] =	wrdreg s24  }
0xaf: {  	[dreg:$0x3] =	wrdreg s2  }
0xb0: {  	[dreg:$0x4] =	wrdreg $0x9  }
0xb1: {  	_ =	task.clear_ibuf [dreg:s7], $0x5FFFF;
	_ =	strace $0x90000046  }
0xb2: {  	s29 =	simm.s32 $0x9;
	_ =	strace $0x80000048  }
0xb3: {  	_ =	swait.ge [sflag:s29], $0x1  }
0xb4: {  	[sflag:s29] =	ssyncadd.s32 $0xFFFFFFFF  }
0xb5: {  	_ =	strace $0x90000048  }
0xb6: {  	_ =	sfence  }
0xb7: {  	s30 =	sld [smem:$0x0];
	_ =	sdelay $0x2  }
0xb8: {  	s31 =	sshll.u32 s1, $0xD;
	s1 =	sshrl.u32 s1, $0x2  }
0xb9: {  	s3 =	sand.u32 $0x4000, s31;
	s1 =	sadd.s32 s1, s30  }
0xba: {  	s0 =	sor.u32 s3, s0;
	s1 =	sshll.u32 s1, $0x11  }
0xbb: {  	s0 =	sor.u32 s1, s0  }
0xbc: {  	s0 =	sadd.s32 $0x8F2B, s0  }
0xbd: {  	[sflag:s0] =	ssyncadd.remote.s32 $0x1  }
0xbe: {  	_ =	sfence.sel $0xFFFF  }
0xbf: {  	[dreg:$0x0] =	wrdreg $0xFFFFFFFF;
	(pc) =	sbr.abs _section_cstart, $3  }
0xc0: {  	[dreg:$0x1] =	wrdreg $0xFFFFFFFF  }
0xc1: {  	_ =	task.clear_ibuf [dreg:s7], $0x2FFFF;
	_ =	strace $0x9FFFFFFF  }
0xc2: {  	(tm) =	ssettm $0x7FFFFFFF  }
0xc3: {  	_ =	shalt  }
tec
execute0_lowered:
.L_overlay_start_1:
0x0: {  	(tag) =	ssettag $0x1  }
0x1: {  	s0 =	rddreg [dreg:$0x0]  }
0x2: {  	s1 =	rddreg [dreg:$0x1];
	s2 =	simm.s32 $0x0;
	s10 =	stileid.u32  }
0x3: {  	s4 =	srdreg.scid;
	s13 =	simm.s32 $0x80;
	s14 =	simm.s32 $0x400  }
0x4: {  	s15 =	simm.s32 $0x1;
	s16 =	simm.s32 $0x2000;
	s17 =	simm.s32 $0x4000  }
0x5: {  	s18 =	simm.s32 $0x6000;
	s20 =	simm.s32 $0x100;
	[smem:$0x7FF] =	sst s2  }
0x6: {  	s3 =	sshll.u32 s10, $0xB;
	s5 =	sadd.s32 $0x2800, s0;
	s4 =	sand.u32 $0x1, s4  }
0x7: {  	s6 =	sadd.s32 $0x800, s0;
	s9 =	sshrl.u32 s10, $0x2;
	s23 =	sshll.u32 s10, $0x1  }
0x8: {  	_ =	strace $0x80000047;
	s3 =	sand.u32 $0x6000, s3;
	s7 =	ssub.s32 $0x2, s4  }
0x9: {  	s24 =	sshll.u32 s9, $0x5;
	s4 =	sor.u32 s4, s23;
	s9 =	sshll.u32 s9, $0xE  }
0xa: {  	s3 =	sadd.s32 s3, s0;
	s0 =	sadd.s32 $0xC800, s0;
	s8 =	sshrl.u32 s7, $0x1  }
0xb: {  	s25 =	sadd.s32 s5, s24;
	s26 =	sadd.s32 s6, s24;
	s28 =	sor.u32 $0x10, s24  }
0xc: {  	s29 =	sshll.u32 s4, $0x4;
	s4 =	sshll.u32 s4, $0xB;
	[dreg:$0x3] =	wrdreg s25  }
0xd: {  	s12 =	ssub.s32 s7, s8;
	[dreg:$0x4] =	wrdreg s26;
	s8 =	sand.u32 $0x70, s29  }
0xe: {  	s4 =	sand.u32 $0x3800, s4;
	s5 =	sadd.s32 s5, s28;
	s30 =	sadd.s32 s6, s28  }
0xf: {  	s25 =	simm.s32 $0x0;
	[dreg:$0x5] =	wrdreg s5;
	s3 =	sadd.s32 s8, s3  }
0x10: {  	s4 =	sor.u32 s9, s4;
	[dreg:$0x6] =	wrdreg s30;
	s12 =	smax.u32 s12, $0x1  }
0x11: {  	s7 =	sadd.s32 $0x4800, s3;
	s31 =	sor.u32 $0x10, s4;
	s8 =	sadd.s32 s1, s4  }
0x12: {  	v0 =	vimm.s32 $0x0;
	s9 =	sadd.s32 s0, s4;
	s10 =	sadd.s32 s1, s31;
	s11 =	sadd.s32 s0, s31  }
.LBB2_1:
0x13: {  	s0 =	rddreg [dreg:$0x3]  }
0x14: {  	[tilespmem:s2], [sflag:$0x1] =	stream.strided.gather [hbm4b:s0+s13], $0x2000, s14, s13, $0x38;
	[tilespmem:$0x12000] =	vst v63  }
0x15: {  	_ =	swait.ge [sflag:s15], $0x2000  }
0x16: {  	[sflag:s15] =	ssyncset.done $0x0  }
0x17: {  	s19 =	rddreg [dreg:$0x4];
	[sflag:s15] =	ssyncadd.s32 $0xFFFFE000  }
0x18: {  	[tilespmem:s16], [sflag:$0x1] =	stream.strided.gather [hbm4b:s19+s13], $0x2000, s14, s13, $0x38;
	[tilespmem:$0x12000] =	vst v63  }
0x19: {  	_ =	swait.ge [sflag:s15], $0x2000  }
0x1a: {  	[sflag:s15] =	ssyncset.done $0x0  }
0x1b: {  	s21 =	rddreg [dreg:$0x5];
	[sflag:s15] =	ssyncadd.s32 $0xFFFFE000  }
0x1c: {  	[tilespmem:s17], [sflag:$0x1] =	stream.strided.gather [hbm4b:s21+s13], $0x2000, s14, s13, $0x38;
	[tilespmem:$0x12000] =	vst v63  }
0x1d: {  	_ =	swait.ge [sflag:s15], $0x2000  }
0x1e: {  	[sflag:s15] =	ssyncset.done $0x0  }
0x1f: {  	s22 =	rddreg [dreg:$0x6];
	[sflag:s15] =	ssyncadd.s32 $0xFFFFE000  }
0x20: {  	[tilespmem:s18], [sflag:$0x1] =	stream.strided.gather [hbm4b:s22+s13], $0x2000, s14, s13, $0x38;
	[tilespmem:$0x12000] =	vst v63  }
0x21: {  	_ =	swait.ge [sflag:s15], $0x2000  }
0x22: {  	[sflag:s15] =	ssyncset.done $0x0  }
0x23: {  	s23 =	simm.s32 $0x8000;
	[sflag:s15] =	ssyncadd.s32 $0xFFFFE000  }
0x24: {  	[tilespmem:s23], [sflag:$0x1] =	stream.strided.gather [hbm4b:s7+s13], $0x2000, s14, s13, $0x38;
	[tilespmem:$0x12000] =	vst v63  }
0x25: {  	_ =	swait.ge [sflag:s15], $0x2000  }
0x26: {  	[sflag:s15] =	ssyncset.done $0x0  }
0x27: {  	s24 =	simm.s32 $0x8010;
	[sflag:s15] =	ssyncadd.s32 $0xFFFFE000  }
0x28: {  	v1 =	vld [tilespmem:s24+$0x10];
	_ =	sdelay $0x1  }
0x29: {  	v2 =	vld [tilespmem:s24+$0x0]  }
0x2a: {  	v4 =	vld [tilespmem:s24+$0xFFFFFFF0];
	_ =	sdelay $0x1  }
0x2b: {  	v5 =	vmul.f32 $8.192000000e+03, v1;
	_ =	sdelay $0x1  }
0x2c: {  	v3 =	vmul.f32 $8.192000000e+03, v2;
	v1 =	vtrunc.f32 v5  }
0x2d: {  	v4 =	vmul.f32 $8.192000000e+03, v4;
	v6 =	vcvt.f32.s32 v1;
	vm0 =	vgt.f32 v5, v1  }
0x2e: {  	v8 =	vsel vm0, $0x1, v0  }
0x2f: {  	v2 =	vtrunc.f32 v3;
	v1 =	vtrunc.f32 v4;
	v10 =	vadd.s32 v6, v8  }
0x30: {  	v9 =	vcvt.f32.s32 v1;
	vm5 =	vgt.f32 v4, v1;
	v8 =	vcvt.s32.f32 v10  }
0x31: {  	v7 =	vcvt.f32.s32 v2;
	vm6 =	vgt.f32 v3, v2;
	v1 =	vsel vm5, $0x1, v0  }
0x32: {  	v2 =	vadd.s32 v9, v1;
	v1 =	vsel vm6, $0x1, v0;
	v12 =	vsub.f32 v8, v5  }
0x33: {  	v9 =	vand.u32 $0x1, v10;
	v13 =	vadd.s32 $0xFFFFFFFF, v10;
	v14 =	vadd.s32 $0x2, v10  }
0x34: {  	v15 =	vadd.s32 $0x1FFE, v10;
	v16 =	vadd.s32 $0x1, v10;
	v11 =	vadd.f32 v12, v12  }
0x35: {  	v18 =	vadd.s32 $0x3, v10;
	v19 =	vadd.s32 $0x1FFD, v10;
	v20 =	vadd.s32 $0x1FFC, v10  }
0x36: {  	v6 =	vcvt.s32.f32 v2;
	v1 =	vadd.s32 v7, v1;
	v17 =	vadd.f32 $-1.000000000e+00, v11  }
0x37: {  	v21 =	vcvt.s32.f32 v9;
	v9 =	vand.u32 $0x1FFF, v13;
	v14 =	vand.u32 $0x1FFF, v14  }
0x38: {  	v7 =	vcvt.s32.f32 v1;
	v8 =	vand.u32 $0x1FFF, v10;
	v13 =	vmul.f32 v17, v17  }
0x39: {  	v10 =	vand.u32 $0x1FFF, v16;
	v16 =	vand.u32 $0x1FFF, v19;
	v21 =	vadd.f32 v21, v21  }
0x3a: {  	v11 =	vand.u32 $0x1FFF, v15;
	v15 =	vand.u32 $0x1FFF, v18;
	v19 =	vmul.f32 $1.153023620e+01, v13  }
0x3b: {  	v18 =	vand.u32 $0x1FFF, v20;
	v20 =	vmul.f32 $3.671265870e+02, v13;
	v22 =	vmul.f32 $2.333320430e+01, v13  }
0x3c: {  	vm7 =	vgt.f32 v12, $0.0e+00;
	v23 =	vmul.f32 $1.927003170e+02, v13;
	v12 =	vmul.f32 $1.712478260e+01, v13  }
0x3d: {  	v24 =	vmul.f32 $3.816824720e+01, v13;
	v19 =	vsub.f32 $7.022843630e+02, v19;
	v20 =	vadd.f32 $-1.054034960e+04, v20  }
0x3e: {  	v25 =	vmul.f32 $6.836809640e+00, v13;
	v22 =	vsub.f32 $1.252984860e+03, v22;
	v23 =	vadd.f32 $-2.613509280e+03, v23  }
0x3f: {  	v26 =	vmul.f32 $6.313917160e+00, v13;
	v12 =	vsub.f32 $6.792153320e+02, v12;
	v24 =	vadd.f32 $1.606314210e+03, v24  }
0x40: {  	v25 =	vsub.f32 $7.631654660e+02, v25;
	v20 =	vmul.f32 v20, v13;
	v19 =	vmul.f32 v19, v13  }
0x41: {  	v29 =	vld.idx.msk [tilespmem:v9+s2+$0x0], $0xffff;
	v26 =	vsub.f32 $1.254091950e+02, v26;
	v23 =	vmul.f32 v23, v13;
	v22 =	vmul.f32 v22, v13  }
0x42: {  	v30 =	vld.idx.msk [tilespmem:v9+s16+$0x0], $0xffff;
	v24 =	vmul.f32 v24, v13;
	v12 =	vmul.f32 v12, v13;
	v19 =	vadd.f32 $-2.561720510e+04, v19  }
0x43: {  	v35 =	vld.idx.msk [tilespmem:v14+s2+$0x0], $0xffff;
	v25 =	vmul.f32 v25, v13;
	v20 =	vadd.f32 $1.818280000e+05, v20;
	v22 =	vadd.f32 $-3.498903910e+04, v22  }
0x44: {  	v36 =	vld.idx.msk [tilespmem:v14+s16+$0x0], $0xffff;
	v26 =	vmul.f32 v26, v13;
	v23 =	vadd.f32 $-4.240294920e+04, v23;
	v12 =	vadd.f32 $-7.072537110e+03, v12  }
0x45: {  	v44 =	vld.idx.msk [tilespmem:v14+s17+$0x0], $0xffff;
	v24 =	vadd.f32 $-5.593729300e+04, v24;
	v19 =	vmul.f32 v19, v13;
	v20 =	vmul.f32 v20, v13  }
0x46: {  	v27 =	vld.idx.msk [tilespmem:v8+s2+$0x0], $0xffff;
	v26 =	vadd.f32 $2.304133790e+03, v26;
	v22 =	vmul.f32 v22, v13;
	v23 =	vmul.f32 v23, v13  }
0x47: {  	v28 =	vld.idx.msk [tilespmem:v8+s16+$0x0], $0xffff;
	v25 =	vadd.f32 $4.195156250e+03, v25;
	v12 =	vmul.f32 v12, v13;
	v24 =	vmul.f32 v24, v13  }
0x48: {  	v31 =	vld.idx.msk [tilespmem:v10+s2+$0x0], $0xffff;
	v26 =	vmul.f32 v26, v13;
	v20 =	vadd.f32 $-1.492470380e+06, v20;
	v19 =	vadd.f32 $5.477343130e+05, v19  }
0x49: {  	v32 =	vld.idx.msk [tilespmem:v10+s16+$0x0], $0xffff;
	v25 =	vmul.f32 v25, v13;
	v23 =	vadd.f32 $1.496549250e+06, v23;
	v12 =	vadd.f32 $-1.584707810e+05, v12  }
0x4a: {  	v33 =	vld.idx.msk [tilespmem:v11+s2+$0x0], $0xffff;
	v22 =	vadd.f32 $3.846238440e+05, v22;
	v26 =	vadd.f32 $4.637730960e+03, v26;
	v19 =	vmul.f32 v19, v13  }
0x4b: {  	v34 =	vld.idx.msk [tilespmem:v11+s16+$0x0], $0xffff;
	v24 =	vadd.f32 $-2.201894220e+05, v24;
	v25 =	vadd.f32 $2.863000980e+03, v25;
	v12 =	vmul.f32 v12, v13  }
0x4c: {  	v38 =	vld.idx.msk [tilespmem:v15+s2+$0x0], $0xffff;
	v22 =	vmul.f32 v22, v13;
	v20 =	vmul.f32 v20, v17;
	v19 =	vadd.f32 $-5.311669500e+06, v19  }
0x4d: {  	v40 =	vld.idx.msk [tilespmem:v15+s16+$0x0], $0xffff;
	v13 =	vmul.f32 v26, v13;
	v23 =	vmul.f32 v23, v17;
	v12 =	vadd.f32 $-1.252314840e+05, v12  }
0x4e: {  	v51 =	vld.idx.msk [tilespmem:v18+s16+$0x0], $0xffff;
	v24 =	vmul.f32 v24, v17;
	v22 =	vadd.f32 $1.665456000e+06, v22;
	v39 =	vsub.f32 v20, v19  }
0x4f: {  	v42 =	vld.idx.msk [tilespmem:v18+s17+$0x0], $0xffff;
	v17 =	vmul.f32 v25, v17;
	v13 =	vadd.f32 $7.550222160e+02, v13;
	v19 =	vadd.f32 v19, v20  }
0x50: {  	v26 =	vld.idx.msk [tilespmem:v16+s16+$0x0], $0xffff;
	v25 =	vsub.f32 v23, v22;
	v22 =	vadd.f32 v22, v23;
	v23 =	vmul.f32 v27, v39  }
0x51: {  	v20 =	vld.idx.msk [tilespmem:v18+s2+$0x0], $0xffff;
	v41 =	vsub.f32 v24, v12;
	v27 =	vmul.f32 v28, v39;
	v29 =	vmul.f32 v29, v19  }
0x52: {  	v53 =	vld.idx.msk [tilespmem:v15+s17+$0x0], $0xffff;
	v43 =	vadd.f32 v13, v17;
	v30 =	vmul.f32 v30, v19;
	v31 =	vmul.f32 v31, v25  }
0x53: {  	v15 =	vld.idx.msk [tilespmem:v15+s18+$0x0], $0xffff;
	v12 =	vadd.f32 v12, v24;
	v32 =	vmul.f32 v32, v25;
	v24 =	vmul.f32 v22, v33  }
0x54: {  	v18 =	vld.idx.msk [tilespmem:v18+s18+$0x0], $0xffff;
	v13 =	vsub.f32 v17, v13;
	v52 =	vmul.f32 v22, v34;
	v35 =	vmul.f32 v41, v35  }
0x55: {  	v37 =	vld.idx.msk [tilespmem:v16+s2+$0x0], $0xffff;
	v43 =	vnsel vm7, $0x0, v43;
	v36 =	vmul.f32 v41, v36;
	v26 =	vmul.f32 v12, v26  }
0x56: {  	v5 =	vadd.s32 $0x1FFC, v2;
	v14 =	vld.idx.msk [tilespmem:v14+s18+$0x0], $0xffff;
	v38 =	vmul.f32 v13, v38;
	v17 =	vmul.f32 v43, v20  }
0x57: {  	v21 =	vsub.f32 $1.000000000e+00, v21;
	v54 =	vld.idx.msk [tilespmem:v16+s17+$0x0], $0xffff;
	v40 =	vmul.f32 v13, v40;
	v28 =	vmul.f32 v43, v51  }
0x58: {  	v16 =	vld.idx.msk [tilespmem:v16+s18+$0x0], $0xffff;
	v34 =	vmul.f32 v13, v53;
	v42 =	vmul.f32 v43, v42;
	v17 =	vadd.f32 $0.0e+00, v17  }
0x59: {  	v55 =	vld.idx.msk [tilespmem:v11+s17+$0x0], $0xffff;
	v13 =	vmul.f32 v13, v15;
	v28 =	vadd.f32 $0.0e+00, v28;
	v18 =	vmul.f32 v43, v18  }
0x5a: {  	v11 =	vld.idx.msk [tilespmem:v11+s18+$0x0], $0xffff;
	v20 =	vmul.f32 v12, v37;
	v42 =	vadd.f32 $0.0e+00, v42;
	v17 =	vadd.f32 v17, v38  }
0x5b: {  	v56 =	vld.idx.msk [tilespmem:v10+s17+$0x0], $0xffff;
	v14 =	vmul.f32 v41, v14;
	v18 =	vadd.f32 $0.0e+00, v18;
	v28 =	vadd.f32 v28, v40  }
0x5c: {  	v10 =	vld.idx.msk [tilespmem:v10+s18+$0x0], $0xffff;
	v15 =	vadd.f32 v42, v34;
	v17 =	vadd.f32 v17, v20;
	v20 =	vmul.f32 v12, v54  }
0x5d: {  	v13 =	vadd.f32 v18, v13;
	v18 =	vadd.f32 v28, v26;
	v12 =	vmul.f32 v12, v16  }
0x5e: {  	v15 =	vadd.f32 v15, v20;
	v16 =	vadd.f32 v17, v35;
	v17 =	vmul.f32 v41, v44  }
0x5f: {  	v11 =	vmul.f32 v11, v22;
	v20 =	vld.idx.msk [tilespmem:v9+s17+$0x0], $0xffff;
	v12 =	vadd.f32 v13, v12;
	v13 =	vadd.f32 v18, v36  }
0x60: {  	v9 =	vld.idx.msk [tilespmem:v9+s18+$0x0], $0xffff;
	v15 =	vadd.f32 v15, v17;
	v16 =	vadd.f32 v16, v24;
	v17 =	vmul.f32 v22, v55  }
0x61: {  	v10 =	vmul.f32 v10, v25;
	v12 =	vadd.f32 v12, v14;
	v13 =	vadd.f32 v13, v52  }
0x62: {  	v18 =	vld.idx.msk [tilespmem:v8+s17+$0x0], $0xffff;
	v14 =	vadd.f32 v15, v17;
	v15 =	vadd.f32 v16, v31;
	v16 =	vmul.f32 v56, v25  }
0x63: {  	v51 =	vadd.s32 $0x2, v2;
	v8 =	vld.idx.msk [tilespmem:v8+s18+$0x0], $0xffff;
	v11 =	vadd.f32 v12, v11;
	v12 =	vadd.f32 v13, v32  }
0x64: {  	v13 =	vadd.f32 v14, v16;
	v14 =	vadd.f32 v15, v29;
	v15 =	vmul.f32 v20, v19  }
0x65: {  	v37 =	vand.u32 $0x1FFF, v51;
	v9 =	vmul.f32 v9, v19;
	v10 =	vadd.f32 v11, v10  }
0x66: {  	v52 =	vadd.s32 $0x2, v1;
	v11 =	vadd.f32 v12, v30;
	v12 =	vadd.f32 v15, v13  }
0x67: {  	v13 =	vadd.f32 v23, v14;
	v14 =	vmul.f32 v18, v39;
	v9 =	vadd.f32 v9, v10  }
0x68: {  	v8 =	vmul.f32 v8, v39;
	v10 =	vadd.f32 v27, v11;
	v15 =	vsub.f32 v6, v4  }
0x69: {  	v42 =	vand.u32 $0x1FFF, v52;
	v4 =	vadd.f32 v14, v12;
	v14 =	vsub.f32 v7, v3  }
0x6a: {  	v16 =	vand.u32 $0x1FFF, v5;
	v3 =	vadd.f32 v8, v9;
	v6 =	vadd.f32 v15, v15  }
0x6b: {  	v5 =	vadd.s32 $0x3, v2;
	v11 =	vmul.f32 v10, v21;
	v10 =	vmul.f32 v4, v21  }
0x6c: {  	v4 =	vadd.f32 v14, v14;
	v9 =	vmul.f32 v3, v21;
	v3 =	vadd.f32 $-1.000000000e+00, v6  }
0x6d: {  	v18 =	vand.u32 $0x1FFF, v5;
	v5 =	vadd.s32 $0x3, v1;
	v12 =	vmul.f32 v13, v21  }
0x6e: {  	v7 =	vadd.s32 $0x1FFC, v1;
	v4 =	vadd.f32 $-1.000000000e+00, v4;
	v6 =	vmul.f32 v3, v3  }
0x6f: {  	v13 =	vand.u32 $0x1FFF, v5;
	vm8 =	vgt.f32 v15, $0.0e+00;
	v17 =	vand.u32 $0x1FFF, v7  }
0x70: {  	v7 =	vadd.s32 $0x1FFD, v2;
	v5 =	vmul.f32 v4, v4;
	v19 =	vmul.f32 $6.313917160e+00, v6  }
0x71: {  	v8 =	vand.u32 $0x1FFF, v7;
	v20 =	vmul.f32 $6.836809640e+00, v6;
	v22 =	vmul.f32 $1.712478260e+01, v6  }
0x72: {  	v7 =	vadd.s32 $0x1FFD, v1;
	v24 =	vmul.f32 $3.816824720e+01, v6;
	v26 =	vmul.f32 $2.333320430e+01, v6  }
0x73: {  	vm9 =	vgt.f32 v14, $0.0e+00;
	v57 =	vmul.f32 $1.927003170e+02, v6;
	v59 =	vmul.f32 $1.153023620e+01, v6  }
0x74: {  	v7 =	vand.u32 $0x1FFF, v7;
	v45 =	vmul.f32 $3.671265870e+02, v6;
	v15 =	vmul.f32 $6.313917160e+00, v5  }
0x75: {  	v21 =	vmul.f32 $6.836809640e+00, v5;
	v19 =	vsub.f32 $1.254091950e+02, v19;
	v20 =	vsub.f32 $7.631654660e+02, v20  }
0x76: {  	v23 =	vmul.f32 $1.712478260e+01, v5;
	v22 =	vsub.f32 $6.792153320e+02, v22;
	v25 =	vmul.f32 $3.816824720e+01, v5  }
0x77: {  	v24 =	vadd.f32 $1.606314210e+03, v24;
	v27 =	vmul.f32 $2.333320430e+01, v5;
	v26 =	vsub.f32 $1.252984860e+03, v26  }
0x78: {  	v58 =	vmul.f32 $1.927003170e+02, v5;
	v28 =	vadd.f32 $-2.613509280e+03, v57;
	v60 =	vmul.f32 $1.153023620e+01, v5  }
0x79: {  	v30 =	vsub.f32 $7.022843630e+02, v59;
	v36 =	vadd.f32 $-1.054034960e+04, v45;
	v45 =	vadd.s32 $0x1FFE, v2  }
0x7a: {  	v46 =	vmul.f32 $3.671265870e+02, v5;
	v45 =	vand.u32 $0x1FFF, v45;
	v15 =	vsub.f32 $1.254091950e+02, v15  }
0x7b: {  	v21 =	vsub.f32 $7.631654660e+02, v21;
	v19 =	vmul.f32 v19, v6;
	v20 =	vmul.f32 v20, v6  }
0x7c: {  	v23 =	vsub.f32 $6.792153320e+02, v23;
	v22 =	vmul.f32 v22, v6;
	v25 =	vadd.f32 $1.606314210e+03, v25  }
0x7d: {  	v24 =	vmul.f32 v24, v6;
	v27 =	vsub.f32 $1.252984860e+03, v27;
	v26 =	vmul.f32 v26, v6  }
0x7e: {  	v29 =	vadd.f32 $-2.613509280e+03, v58;
	v28 =	vmul.f32 v28, v6;
	v31 =	vsub.f32 $7.022843630e+02, v60  }
0x7f: {  	v30 =	vmul.f32 v30, v6;
	v14 =	vadd.f32 $-1.054034960e+04, v46;
	v46 =	vadd.s32 $0x1FFE, v1  }
0x80: {  	v36 =	vmul.f32 v36, v6;
	v46 =	vand.u32 $0x1FFF, v46;
	v15 =	vmul.f32 v15, v5  }
0x81: {  	v21 =	vmul.f32 v21, v5;
	v19 =	vadd.f32 $2.304133790e+03, v19;
	v20 =	vadd.f32 $4.195156250e+03, v20  }
0x82: {  	v23 =	vmul.f32 v23, v5;
	v22 =	vadd.f32 $-7.072537110e+03, v22;
	v25 =	vmul.f32 v25, v5  }
0x83: {  	v24 =	vadd.f32 $-5.593729300e+04, v24;
	v27 =	vmul.f32 v27, v5;
	v26 =	vadd.f32 $-3.498903910e+04, v26  }
0x84: {  	v29 =	vmul.f32 v29, v5;
	v28 =	vadd.f32 $-4.240294920e+04, v28;
	v31 =	vmul.f32 v31, v5  }
0x85: {  	v30 =	vadd.f32 $-2.561720510e+04, v30;
	v14 =	vmul.f32 v14, v5;
	v36 =	vadd.f32 $1.818280000e+05, v36  }
0x86: {  	v15 =	vadd.f32 $2.304133790e+03, v15;
	v19 =	vmul.f32 v19, v6;
	v21 =	vadd.f32 $4.195156250e+03, v21  }
0x87: {  	v20 =	vmul.f32 v20, v6;
	v23 =	vadd.f32 $-7.072537110e+03, v23;
	v22 =	vmul.f32 v22, v6  }
0x88: {  	v25 =	vadd.f32 $-5.593729300e+04, v25;
	v24 =	vmul.f32 v24, v6;
	v27 =	vadd.f32 $-3.498903910e+04, v27  }
0x89: {  	v26 =	vmul.f32 v26, v6;
	v29 =	vadd.f32 $-4.240294920e+04, v29;
	v28 =	vmul.f32 v28, v6  }
0x8a: {  	v31 =	vadd.f32 $-2.561720510e+04, v31;
	v30 =	vmul.f32 v30, v6;
	v14 =	vadd.f32 $1.818280000e+05, v14  }
0x8b: {  	v36 =	vmul.f32 v36, v6;
	v15 =	vmul.f32 v15, v5;
	v19 =	vadd.f32 $4.637730960e+03, v19  }
0x8c: {  	v61 =	vld.idx.msk [tilespmem:v16+s2+$0x0], $0xffff;
	v21 =	vmul.f32 v21, v5;
	v20 =	vadd.f32 $2.863000980e+03, v20;
	v23 =	vmul.f32 v23, v5  }
0x8d: {  	v62 =	vld.idx.msk [tilespmem:v16+s16+$0x0], $0xffff;
	v22 =	vadd.f32 $-1.584707810e+05, v22;
	v25 =	vmul.f32 v25, v5;
	v24 =	vadd.f32 $-2.201894220e+05, v24  }
0x8e: {  	v63 =	vld.idx.msk [tilespmem:v16+s17+$0x0], $0xffff;
	v27 =	vmul.f32 v27, v5;
	v26 =	vadd.f32 $3.846238440e+05, v26;
	v29 =	vmul.f32 v29, v5  }
0x8f: {  	v16 =	vld.idx.msk [tilespmem:v16+s18+$0x0], $0xffff;
	v28 =	vadd.f32 $1.496549250e+06, v28;
	v31 =	vmul.f32 v31, v5;
	v30 =	vadd.f32 $5.477343130e+05, v30  }
0x90: {  	v48 =	vld.idx.msk [tilespmem:v17+s2+$0x0], $0xffff;
	v14 =	vmul.f32 v14, v5;
	v36 =	vadd.f32 $-1.492470380e+06, v36;
	v15 =	vadd.f32 $4.637730960e+03, v15  }
0x91: {  	v49 =	vld.idx.msk [tilespmem:v17+s16+$0x0], $0xffff;
	v19 =	vmul.f32 v19, v6;
	v21 =	vadd.f32 $2.863000980e+03, v21;
	v20 =	vmul.f32 v20, v3  }
0x92: {  	v50 =	vld.idx.msk [tilespmem:v17+s17+$0x0], $0xffff;
	v23 =	vadd.f32 $-1.584707810e+05, v23;
	v22 =	vmul.f32 v22, v6;
	v25 =	vadd.f32 $-2.201894220e+05, v25  }
0x93: {  	v17 =	vld.idx.msk [tilespmem:v17+s18+$0x0], $0xffff;
	v24 =	vmul.f32 v24, v3;
	v27 =	vadd.f32 $3.846238440e+05, v27;
	v26 =	vmul.f32 v26, v6  }
0x94: {  	v57 =	vld.idx.msk [tilespmem:v18+s16+$0x0], $0xffff;
	v29 =	vadd.f32 $1.496549250e+06, v29;
	v31 =	vadd.f32 $5.477343130e+05, v31;
	v6 =	vmul.f32 v30, v6  }
0x95: {  	v59 =	vld.idx.msk [tilespmem:v18+s17+$0x0], $0xffff;
	v14 =	vadd.f32 $-1.492470380e+06, v14;
	v15 =	vmul.f32 v15, v5;
	v19 =	vadd.f32 $7.550222160e+02, v19  }
0x96: {  	v51 =	vld.idx.msk [tilespmem:v7+s16+$0x0], $0xffff;
	v21 =	vmul.f32 v21, v4;
	v23 =	vmul.f32 v23, v5;
	v22 =	vadd.f32 $-1.252314840e+05, v22  }
0x97: {  	v52 =	vld.idx.msk [tilespmem:v7+s17+$0x0], $0xffff;
	v25 =	vmul.f32 v25, v4;
	v26 =	vadd.f32 $1.665456000e+06, v26;
	v15 =	vadd.f32 $7.550222160e+02, v15  }
0x98: {  	v60 =	vld.idx.msk [tilespmem:v13+s2+$0x0], $0xffff;
	v27 =	vmul.f32 v27, v5;
	v44 =	vadd.f32 v19, v20;
	v19 =	vsub.f32 v20, v19  }
0x99: {  	v5 =	vmul.f32 v31, v5;
	v47 =	vadd.f32 v15, v21;
	v15 =	vsub.f32 v21, v15;
	v21 =	vld.idx.msk [tilespmem:v18+s2+$0x0], $0xffff  }
0x9a: {  	v6 =	vadd.f32 $-5.311669500e+06, v6;
	v23 =	vadd.f32 $-1.252314840e+05, v23;
	v35 =	vnsel vm8, $0x0, v44;
	v18 =	vld.idx.msk [tilespmem:v18+s18+$0x0], $0xffff  }
0x9b: {  	v27 =	vadd.f32 $1.665456000e+06, v27;
	v39 =	vmul.f32 v19, v57;
	v57 =	vld.idx.msk [tilespmem:v37+s2+$0x0], $0xffff;
	v20 =	vmul.f32 v35, v61  }
0x9c: {  	v53 =	vmul.f32 v35, v62;
	v54 =	vmul.f32 v35, v63;
	v61 =	vld.idx.msk [tilespmem:v13+s16+$0x0], $0xffff;
	v38 =	vnsel vm9, $0x0, v47  }
0x9d: {  	v5 =	vadd.f32 $-5.311669500e+06, v5;
	v16 =	vmul.f32 v35, v16;
	v62 =	vld.idx.msk [tilespmem:v13+s17+$0x0], $0xffff;
	v55 =	vmul.f32 v38, v48  }
0x9e: {  	v13 =	vld.idx.msk [tilespmem:v13+s18+$0x0], $0xffff;
	v56 =	vmul.f32 v38, v49;
	v58 =	vmul.f32 v38, v50;
	v20 =	vadd.f32 $0.0e+00, v20  }
0x9f: {  	v63 =	vld.idx.msk [tilespmem:v8+s16+$0x0], $0xffff;
	v17 =	vmul.f32 v38, v17;
	v32 =	vadd.f32 $0.0e+00, v53;
	v33 =	vadd.f32 $0.0e+00, v54  }
0xa0: {  	v47 =	vld.idx.msk [tilespmem:v8+s2+$0x0], $0xffff;
	v16 =	vadd.f32 $0.0e+00, v16;
	v38 =	vmul.f32 v19, v59;
	v48 =	vadd.f32 v22, v24  }
0xa1: {  	v49 =	vld.idx.msk [tilespmem:v8+s17+$0x0], $0xffff;
	v53 =	vadd.s32 $0x1, v1;
	v22 =	vsub.f32 v24, v22;
	v34 =	vadd.f32 $0.0e+00, v55  }
0xa2: {  	v8 =	vld.idx.msk [tilespmem:v8+s18+$0x0], $0xffff;
	v21 =	vmul.f32 v19, v21;
	v35 =	vadd.f32 $0.0e+00, v56;
	v40 =	vadd.f32 $0.0e+00, v58  }
0xa3: {  	v50 =	vld.idx.msk [tilespmem:v7+s2+$0x0], $0xffff;
	v18 =	vmul.f32 v19, v18;
	v17 =	vadd.f32 $0.0e+00, v17;
	v19 =	vmul.f32 v15, v60  }
0xa4: {  	v7 =	vld.idx.msk [tilespmem:v7+s18+$0x0], $0xffff;
	v32 =	vadd.f32 v32, v39;
	v33 =	vadd.f32 v33, v38;
	v43 =	vmul.f32 v15, v61  }
0xa5: {  	v59 =	vld.idx.msk [tilespmem:v37+s16+$0x0], $0xffff;
	v44 =	vmul.f32 v15, v62;
	v13 =	vmul.f32 v15, v13;
	v15 =	vadd.f32 v23, v25  }
0xa6: {  	v54 =	vld.idx.msk [tilespmem:v45+s16+$0x0], $0xffff;
	v23 =	vsub.f32 v25, v23;
	v25 =	vmul.f32 v28, v3;
	v28 =	vmul.f32 v29, v4  }
0xa7: {  	v60 =	vld.idx.msk [tilespmem:v37+s17+$0x0], $0xffff;
	v38 =	vadd.s32 $0xFFFFFFFF, v2;
	v3 =	vmul.f32 v36, v3;
	v4 =	vmul.f32 v14, v4  }
0xa8: {  	v37 =	vld.idx.msk [tilespmem:v37+s18+$0x0], $0xffff;
	v20 =	vadd.f32 v20, v21;
	v21 =	vadd.s32 $0x1, v2;
	v56 =	vmul.f32 v48, v47  }
0xa9: {  	v62 =	vld.idx.msk [tilespmem:v42+s16+$0x0], $0xffff;
	v16 =	vadd.f32 v16, v18;
	v18 =	vmul.f32 v48, v63;
	v58 =	vmul.f32 v48, v49  }
0xaa: {  	v63 =	vld.idx.msk [tilespmem:v42+s17+$0x0], $0xffff;
	v13 =	vadd.f32 v17, v13;
	v17 =	vmul.f32 v15, v50;
	v24 =	vmul.f32 v15, v51  }
0xab: {  	v19 =	vadd.f32 v34, v19;
	v61 =	vmul.f32 v15, v52;
	v7 =	vmul.f32 v15, v7;
	v15 =	vld.idx.msk [tilespmem:v42+s2+$0x0], $0xffff  }
0xac: {  	v35 =	vadd.f32 v35, v43;
	v40 =	vadd.f32 v40, v44;
	v8 =	vmul.f32 v48, v8;
	v42 =	vld.idx.msk [tilespmem:v42+s18+$0x0], $0xffff  }
0xad: {  	v21 =	vand.u32 $0x1FFF, v21;
	v48 =	vand.u32 $0x1FFF, v53;
	v50 =	vld.idx.msk [tilespmem:v45+s2+$0x0], $0xffff;
	v41 =	vadd.f32 v6, v3  }
0xae: {  	v53 =	vmul.f32 v22, v57;
	v57 =	vld.idx.msk [tilespmem:v45+s18+$0x0], $0xffff;
	v3 =	vsub.f32 v3, v6;
	v20 =	vadd.f32 v20, v56  }
0xaf: {  	v49 =	vadd.s32 $0xFFFFFFFF, v1;
	v18 =	vadd.f32 v32, v18;
	v17 =	vadd.f32 v19, v17;
	v19 =	vld.idx.msk [tilespmem:v45+s17+$0x0], $0xffff  }
0xb0: {  	v49 =	vand.u32 $0x1FFF, v49;
	v52 =	vadd.f32 v33, v58;
	v55 =	vmul.f32 v22, v60;
	v60 =	vld.idx.msk [tilespmem:v46+s16+$0x0], $0xffff  }
0xb1: {  	v8 =	vadd.f32 v16, v8;
	v16 =	vmul.f32 v22, v59;
	v29 =	vmul.f32 v23, v62;
	v62 =	vld.idx.msk [tilespmem:v46+s17+$0x0], $0xffff  }
0xb2: {  	v24 =	vadd.f32 v35, v24;
	v56 =	vadd.f32 v40, v61;
	v59 =	vmul.f32 v23, v63;
	v63 =	vld.idx.msk [tilespmem:v46+s18+$0x0], $0xffff  }
0xb3: {  	v7 =	vadd.f32 v13, v7;
	v58 =	vadd.f32 v26, v25;
	v13 =	vmul.f32 v23, v15;
	v15 =	vld.idx.msk [tilespmem:v46+s2+$0x0], $0xffff  }
0xb4: {  	v22 =	vmul.f32 v22, v37;
	v61 =	vadd.f32 v27, v28;
	v25 =	vsub.f32 v25, v26;
	v51 =	vld.idx.msk [tilespmem:v21+s2+$0x0], $0xffff  }
0xb5: {  	v33 =	vand.u32 $0x1FFF, v38;
	v27 =	vsub.f32 v28, v27;
	v20 =	vadd.f32 v20, v53;
	v53 =	vld.idx.msk [tilespmem:v21+s16+$0x0], $0xffff  }
0xb6: {  	v16 =	vadd.f32 v18, v16;
	v18 =	vadd.f32 v52, v55;
	v55 =	vmul.f32 v57, v58;
	v57 =	vld.idx.msk [tilespmem:v48+s16+$0x0], $0xffff  }
0xb7: {  	v8 =	vadd.f32 v8, v22;
	v22 =	vmul.f32 v58, v54;
	v23 =	vmul.f32 v23, v42;
	v14 =	vld.idx.msk [tilespmem:v48+s18+$0x0], $0xffff  }
0xb8: {  	v52 =	vmul.f32 v58, v50;
	v24 =	vadd.f32 v24, v29;
	v54 =	vadd.f32 v56, v59;
	v59 =	vld.idx.msk [tilespmem:v48+s17+$0x0], $0xffff  }
0xb9: {  	v16 =	vadd.f32 v16, v22;
	v43 =	vld.idx.msk [tilespmem:v49+s16+$0x0], $0xffff;
	v13 =	vadd.f32 v17, v13;
	v19 =	vmul.f32 v58, v19  }
0xba: {  	v44 =	vld.idx.msk [tilespmem:v49+s17+$0x0], $0xffff;
	v7 =	vadd.f32 v7, v23;
	v26 =	vmul.f32 v61, v60;
	v20 =	vadd.f32 v20, v52  }
0xbb: {  	v17 =	vld.idx.msk [tilespmem:v21+s17+$0x0], $0xffff;
	v60 =	vand.u32 $0x1FFF, v2;
	v2 =	vand.u32 $0x1, v2;
	v56 =	vmul.f32 v61, v62  }
0xbc: {  	v21 =	vld.idx.msk [tilespmem:v21+s18+$0x0], $0xffff;
	v8 =	vadd.f32 v8, v55;
	v2 =	vcvt.s32.f32 v2;
	v58 =	vmul.f32 v63, v61  }
0xbd: {  	v23 =	vld.idx.msk [tilespmem:v48+s2+$0x0], $0xffff;
	v18 =	vadd.f32 v18, v19;
	v24 =	vadd.f32 v24, v26;
	v15 =	vmul.f32 v61, v15  }
0xbe: {  	v22 =	vld.idx.msk [tilespmem:v33+s16+$0x0], $0xffff;
	v61 =	vand.u32 $0x1FFF, v1;
	v19 =	vmul.f32 v51, v25;
	v63 =	vmul.f32 v53, v25  }
0xbf: {  	v40 =	vld.idx.msk [tilespmem:v33+s18+$0x0], $0xffff;
	v26 =	vadd.f32 v54, v56;
	v42 =	vmul.f32 v57, v27;
	v14 =	vmul.f32 v14, v27  }
0xc0: {  	v62 =	vld.idx.msk [tilespmem:v33+s2+$0x0], $0xffff;
	v1 =	vand.u32 $0x1, v1;
	v7 =	vadd.f32 v7, v58;
	v30 =	vmul.f32 v59, v27  }
0xc1: {  	v13 =	vadd.f32 v13, v15;
	v15 =	vld.idx.msk [tilespmem:v33+s17+$0x0], $0xffff;
	v17 =	vmul.f32 v17, v25;
	v21 =	vmul.f32 v21, v25  }
0xc2: {  	v23 =	vmul.f32 v23, v27;
	v25 =	vld.idx.msk [tilespmem:v49+s2+$0x0], $0xffff;
	v27 =	vadd.f32 v5, v4;
	v19 =	vadd.f32 v20, v19  }
0xc3: {  	v1 =	vcvt.s32.f32 v1;
	v16 =	vadd.f32 v16, v63;
	v20 =	vld.idx.msk [tilespmem:v49+s18+$0x0], $0xffff;
	v5 =	vsub.f32 v4, v5  }
0xc4: {  	v22 =	vmul.f32 v22, v41;
	v26 =	vadd.f32 v26, v30;
	v7 =	vadd.f32 v7, v14;
	v14 =	vld.idx.msk [tilespmem:v60+s17+$0x0], $0xffff  }
0xc5: {  	v6 =	vmul.f32 v40, v41;
	v17 =	vadd.f32 v18, v17;
	v8 =	vadd.f32 v8, v21;
	v21 =	vld.idx.msk [tilespmem:v60+s2+$0x0], $0xffff  }
0xc6: {  	v18 =	vmul.f32 v62, v41;
	v13 =	vadd.f32 v13, v23;
	v23 =	vadd.f32 v24, v42;
	v24 =	vld.idx.msk [tilespmem:v60+s16+$0x0], $0xffff  }
0xc7: {  	v45 =	vld.idx.msk [tilespmem:v60+s18+$0x0], $0xffff;
	v4 =	vmul.f32 v43, v27;
	v46 =	vmul.f32 v44, v27;
	v16 =	vadd.f32 v16, v22  }
0xc8: {  	v47 =	vld.idx.msk [tilespmem:v61+s2+$0x0], $0xffff;
	v18 =	vadd.f32 v19, v18;
	v6 =	vadd.f32 v6, v8;
	v15 =	vmul.f32 v15, v41  }
0xc9: {  	s26 =	simm.s32 $0x8040;
	v23 =	vadd.f32 v23, v4;
	v25 =	vmul.f32 v25, v27;
	v19 =	vmul.f32 v20, v27;
	v20 =	vld.idx.msk [tilespmem:v61+s16+$0x0], $0xffff  }
0xca: {  	v4 =	vmul.f32 v14, v3;
	v14 =	vld [tilespmem:s26+$0x10];
	v15 =	vadd.f32 v15, v17;
	v8 =	vmul.f32 v21, v3  }
0xcb: {  	v17 =	vld.idx.msk [tilespmem:v61+s17+$0x0], $0xffff;
	v13 =	vadd.f32 v13, v25;
	v22 =	vmul.f32 v24, v3;
	v24 =	vadd.f32 v46, v26  }
0xcc: {  	v21 =	vld.idx.msk [tilespmem:v61+s18+$0x0], $0xffff;
	v3 =	vmul.f32 v45, v3;
	v7 =	vadd.f32 v19, v7;
	v19 =	vadd.f32 v2, v2  }
0xcd: {  	v27 =	vld [tilespmem:s26+$0x0];
	v26 =	vadd.f32 v1, v1;
	v25 =	vmul.f32 v47, v5;
	v18 =	vadd.f32 v8, v18  }
0xce: {  	v8 =	vsub.f32 $1.000000000e+00, v19;
	v1 =	vmul.f32 v20, v5;
	v20 =	vadd.f32 v22, v16;
	v16 =	vld [tilespmem:s26+$0xFFFFFFF0]  }
0xcf: {  	v2 =	vadd.f32 v3, v6  }
0xd0: {  	v3 =	vadd.f32 v25, v13;
	v13 =	vmul.f32 v18, v8;
	v17 =	vmul.f32 v17, v5  }
0xd1: {  	v4 =	vadd.f32 v4, v15;
	v15 =	vmul.f32 v21, v5;
	v21 =	vmul.f32 $8.192000000e+03, v14  }
0xd2: {  	v6 =	vadd.f32 v1, v23;
	v5 =	vadd.f32 v17, v24;
	v17 =	vmul.f32 $8.192000000e+03, v27  }
0xd3: {  	v1 =	vadd.f32 v15, v7;
	v14 =	vtrunc.f32 v21;
	v18 =	vmul.f32 $8.192000000e+03, v16  }
0xd4: {  	v7 =	vsub.f32 $1.000000000e+00, v26;
	v16 =	vcvt.f32.s32 v14;
	vm10 =	vgt.f32 v21, v14  }
0xd5: {  	v15 =	vtrunc.f32 v17;
	v19 =	vsel vm10, $0x1, v0;
	v14 =	vtrunc.f32 v18  }
0xd6: {  	v22 =	vcvt.f32.s32 v15;
	v24 =	vadd.s32 v16, v19;
	vm12 =	vgt.f32 v17, v15  }
0xd7: {  	v23 =	vcvt.f32.s32 v14;
	vm11 =	vgt.f32 v18, v14;
	v25 =	vcvt.s32.f32 v24  }
0xd8: {  	v15 =	vsel vm12, $0x1, v0;
	v27 =	vadd.s32 $0xFFFFFFFF, v24;
	v48 =	vadd.s32 $0x2, v24  }
0xd9: {  	v49 =	vadd.s32 $0x1FFE, v24;
	v50 =	vadd.s32 $0x1, v24;
	v26 =	vsub.f32 v25, v21  }
0xda: {  	v51 =	vadd.s32 $0x3, v24;
	v52 =	vadd.s32 $0x1FFD, v24;
	v53 =	vadd.s32 $0x1FFC, v24  }
0xdb: {  	v14 =	vsel vm11, $0x1, v0;
	v15 =	vadd.s32 v22, v15;
	v25 =	vadd.f32 v26, v26  }
0xdc: {  	v29 =	vand.u32 $0x1FFF, v51;
	v30 =	vand.u32 $0x1FFF, v52;
	v28 =	vand.u32 $0x1FFF, v48  }
0xdd: {  	v32 =	vand.u32 $0x1FFF, v53;
	v16 =	vadd.s32 v23, v14;
	v31 =	vadd.f32 $-1.000000000e+00, v25  }
0xde: {  	v14 =	vmul.f32 v20, v8;
	v22 =	vcvt.s32.f32 v15;
	v23 =	vand.u32 $0x1, v24  }
0xdf: {  	v54 =	vcvt.s32.f32 v23;
	v23 =	vand.u32 $0x1FFF, v27;
	v27 =	vmul.f32 v31, v31  }
0xe0: {  	v20 =	vand.u32 $0x1FFF, v24;
	v24 =	vand.u32 $0x1FFF, v50;
	v19 =	vcvt.s32.f32 v16  }
0xe1: {  	vm13 =	vgt.f32 v26, $0.0e+00;
	v55 =	vmul.f32 $1.153023620e+01, v27;
	v56 =	vmul.f32 $3.671265870e+02, v27  }
0xe2: {  	v35 =	vadd.f32 v54, v54;
	v57 =	vmul.f32 $2.333320430e+01, v27;
	v58 =	vmul.f32 $1.927003170e+02, v27  }
0xe3: {  	v25 =	vand.u32 $0x1FFF, v49;
	v26 =	vmul.f32 $1.712478260e+01, v27;
	v59 =	vmul.f32 $3.816824720e+01, v27  }
0xe4: {  	v60 =	vmul.f32 $6.836809640e+00, v27;
	v33 =	vsub.f32 $7.022843630e+02, v55;
	v34 =	vadd.f32 $-1.054034960e+04, v56  }
0xe5: {  	v61 =	vmul.f32 $6.313917160e+00, v27;
	v36 =	vsub.f32 $1.252984860e+03, v57;
	v37 =	vadd.f32 $-2.613509280e+03, v58  }
0xe6: {  	v26 =	vsub.f32 $6.792153320e+02, v26;
	v38 =	vadd.f32 $1.606314210e+03, v59;
	v34 =	vmul.f32 v34, v27  }
0xe7: {  	v39 =	vsub.f32 $7.631654660e+02, v60;
	v37 =	vmul.f32 v37, v27;
	v33 =	vmul.f32 v33, v27  }
0xe8: {  	v49 =	vld.idx.msk [tilespmem:v28+s2+$0x0], $0xffff;
	v40 =	vsub.f32 $1.254091950e+02, v61;
	v38 =	vmul.f32 v38, v27;
	v36 =	vmul.f32 v36, v27  }
0xe9: {  	v50 =	vld.idx.msk [tilespmem:v28+s16+$0x0], $0xffff;
	v26 =	vmul.f32 v26, v27;
	v33 =	vadd.f32 $-2.561720510e+04, v33;
	v34 =	vadd.f32 $1.818280000e+05, v34  }
0xea: {  	v52 =	vld.idx.msk [tilespmem:v29+s2+$0x0], $0xffff;
	v39 =	vmul.f32 v39, v27;
	v36 =	vadd.f32 $-3.498903910e+04, v36;
	v37 =	vadd.f32 $-4.240294920e+04, v37  }
0xeb: {  	v54 =	vld.idx.msk [tilespmem:v29+s16+$0x0], $0xffff;
	v40 =	vmul.f32 v40, v27;
	v26 =	vadd.f32 $-7.072537110e+03, v26;
	v38 =	vadd.f32 $-5.593729300e+04, v38  }
0xec: {  	v62 =	vld.idx.msk [tilespmem:v20+s2+$0x0], $0xffff;
	v39 =	vadd.f32 $4.195156250e+03, v39;
	v33 =	vmul.f32 v33, v27;
	v34 =	vmul.f32 v34, v27  }
0xed: {  	v45 =	vld.idx.msk [tilespmem:v24+s2+$0x0], $0xffff;
	v40 =	vadd.f32 $2.304133790e+03, v40;
	v36 =	vmul.f32 v36, v27;
	v37 =	vmul.f32 v37, v27  }
0xee: {  	v46 =	vld.idx.msk [tilespmem:v24+s16+$0x0], $0xffff;
	v26 =	vmul.f32 v26, v27;
	v38 =	vmul.f32 v38, v27;
	v34 =	vadd.f32 $-1.492470380e+06, v34  }
0xef: {  	v47 =	vld.idx.msk [tilespmem:v25+s2+$0x0], $0xffff;
	v40 =	vmul.f32 v40, v27;
	v37 =	vadd.f32 $1.496549250e+06, v37;
	v33 =	vadd.f32 $5.477343130e+05, v33  }
0xf0: {  	v63 =	vld.idx.msk [tilespmem:v25+s16+$0x0], $0xffff;
	v39 =	vmul.f32 v39, v27;
	v26 =	vadd.f32 $-1.584707810e+05, v26;
	v36 =	vadd.f32 $3.846238440e+05, v36  }
0xf1: {  	v57 =	vld.idx.msk [tilespmem:v20+s16+$0x0], $0xffff;
	v40 =	vadd.f32 $4.637730960e+03, v40;
	v38 =	vadd.f32 $-2.201894220e+05, v38;
	v33 =	vmul.f32 v33, v27  }
0xf2: {  	v58 =	vld.idx.msk [tilespmem:v23+s2+$0x0], $0xffff;
	v39 =	vadd.f32 $2.863000980e+03, v39;
	v26 =	vmul.f32 v26, v27;
	v36 =	vmul.f32 v36, v27  }
0xf3: {  	v59 =	vld.idx.msk [tilespmem:v23+s16+$0x0], $0xffff;
	v27 =	vmul.f32 v40, v27;
	v34 =	vmul.f32 v34, v31;
	v33 =	vadd.f32 $-5.311669500e+06, v33  }
0xf4: {  	v60 =	vld.idx.msk [tilespmem:v30+s2+$0x0], $0xffff;
	v37 =	vmul.f32 v37, v31;
	v26 =	vadd.f32 $-1.252314840e+05, v26;
	v36 =	vadd.f32 $1.665456000e+06, v36  }
0xf5: {  	v61 =	vld.idx.msk [tilespmem:v32+s2+$0x0], $0xffff;
	v38 =	vmul.f32 v38, v31;
	v27 =	vadd.f32 $7.550222160e+02, v27;
	v53 =	vsub.f32 v34, v33  }
0xf6: {  	v56 =	vld.idx.msk [tilespmem:v32+s17+$0x0], $0xffff;
	v31 =	vmul.f32 v39, v31;
	v39 =	vsub.f32 v37, v36;
	v33 =	vadd.f32 v33, v34  }
0xf7: {  	v40 =	vld.idx.msk [tilespmem:v30+s16+$0x0], $0xffff;
	v36 =	vadd.f32 v36, v37;
	v37 =	vmul.f32 v62, v53;
	v41 =	vmul.f32 v57, v53  }
0xf8: {  	v55 =	vsub.f32 v38, v26;
	v62 =	vld.idx.msk [tilespmem:v32+s16+$0x0], $0xffff;
	v43 =	vmul.f32 v58, v33;
	v44 =	vmul.f32 v59, v33  }
0xf9: {  	v26 =	vadd.f32 v26, v38;
	v45 =	vmul.f32 v45, v39;
	v46 =	vmul.f32 v46, v39;
	v32 =	vld.idx.msk [tilespmem:v32+s18+$0x0], $0xffff  }
0xfa: {  	v57 =	vadd.f32 v27, v31;
	v38 =	vmul.f32 v36, v47;
	v47 =	vmul.f32 v36, v63;
	v63 =	vld.idx.msk [tilespmem:v29+s17+$0x0], $0xffff  }
0xfb: {  	v49 =	vmul.f32 v55, v49;
	v50 =	vmul.f32 v55, v50;
	v29 =	vld.idx.msk [tilespmem:v29+s18+$0x0], $0xffff  }
0xfc: {  	v27 =	vsub.f32 v31, v27;
	v60 =	vmul.f32 v26, v60;
	v58 =	vld.idx.msk [tilespmem:v28+s17+$0x0], $0xffff;
	v57 =	vnsel vm13, $0x0, v57  }
0xfd: {  	v21 =	vadd.s32 $0x1FFC, v16;
	v40 =	vmul.f32 v26, v40;
	v28 =	vld.idx.msk [tilespmem:v28+s18+$0x0], $0xffff;
	v59 =	vmul.f32 v57, v61  }
0xfe: {  	v35 =	vsub.f32 $1.000000000e+00, v35;
	v52 =	vmul.f32 v27, v52;
	v61 =	vld.idx.msk [tilespmem:v30+s17+$0x0], $0xffff;
	v56 =	vmul.f32 v57, v56  }
0xff: {  	v54 =	vmul.f32 v27, v54;
	v30 =	vld.idx.msk [tilespmem:v30+s18+$0x0], $0xffff;
	v42 =	vmul.f32 v57, v62;
	v31 =	vadd.f32 $0.0e+00, v59  }
0x100: {  	v32 =	vmul.f32 v57, v32;
	v56 =	vadd.f32 $0.0e+00, v56;
	v48 =	vmul.f32 v27, v63  }
0x101: {  	v62 =	vld.idx.msk [tilespmem:v25+s17+$0x0], $0xffff;
	v27 =	vmul.f32 v27, v29;
	v42 =	vadd.f32 $0.0e+00, v42;
	v31 =	vadd.f32 v31, v52  }
0x102: {  	v25 =	vld.idx.msk [tilespmem:v25+s18+$0x0], $0xffff;
	v28 =	vmul.f32 v55, v28;
	v32 =	vadd.f32 $0.0e+00, v32;
	v63 =	vadd.f32 v56, v48  }
0x103: {  	v56 =	vld.idx.msk [tilespmem:v24+s17+$0x0], $0xffff;
	v48 =	vsub.f32 v19, v18;
	v42 =	vadd.f32 v42, v54;
	v54 =	vmul.f32 v26, v61  }
0x104: {  	v24 =	vld.idx.msk [tilespmem:v24+s18+$0x0], $0xffff;
	v31 =	vadd.f32 v31, v60;
	v27 =	vadd.f32 v32, v27;
	v26 =	vmul.f32 v26, v30  }
0x105: {  	v60 =	vmul.f32 v55, v58;
	v61 =	vld.idx.msk [tilespmem:v23+s17+$0x0], $0xffff;
	v57 =	vadd.f32 v42, v40;
	v29 =	vadd.f32 v63, v54  }
0x106: {  	v23 =	vld.idx.msk [tilespmem:v23+s18+$0x0], $0xffff;
	vm14 =	vgt.f32 v48, $0.0e+00;
	v59 =	vadd.f32 v31, v49;
	v26 =	vadd.f32 v27, v26  }
0x107: {  	v62 =	vmul.f32 v36, v62;
	v27 =	vadd.f32 v57, v50;
	v29 =	vadd.f32 v29, v60  }
0x108: {  	v25 =	vmul.f32 v25, v36;
	v30 =	vadd.f32 v59, v38;
	v26 =	vadd.f32 v26, v28  }
0x109: {  	v42 =	vmul.f32 v56, v39;
	v28 =	vsub.f32 v22, v17;
	v22 =	vadd.f32 v48, v48  }
0x10a: {  	v63 =	vld.idx.msk [tilespmem:v20+s17+$0x0], $0xffff;
	v24 =	vmul.f32 v24, v39;
	v27 =	vadd.f32 v27, v47;
	v38 =	vadd.f32 v29, v62  }
0x10b: {  	v23 =	vmul.f32 v23, v33;
	v40 =	vadd.f32 v30, v45;
	v25 =	vadd.f32 v26, v25  }
0x10c: {  	v20 =	vld.idx.msk [tilespmem:v20+s18+$0x0], $0xffff;
	v30 =	vand.u32 $0x1FFF, v21;
	v21 =	vadd.f32 $-1.000000000e+00, v22;
	v26 =	vadd.f32 v27, v46  }
0x10d: {  	v27 =	vadd.f32 v38, v42;
	v45 =	vadd.f32 v40, v43;
	v46 =	vmul.f32 v61, v33  }
0x10e: {  	v22 =	vadd.s32 $0x3, v16;
	v24 =	vadd.f32 v25, v24;
	v25 =	vadd.f32 v26, v44  }
0x10f: {  	v47 =	vmul.f32 v63, v53;
	v26 =	vadd.f32 v46, v27;
	v27 =	vadd.f32 v37, v45  }
0x110: {  	vm15 =	vgt.f32 v28, $0.0e+00;
	v23 =	vadd.f32 v23, v24;
	v24 =	vadd.f32 v41, v25  }
0x111: {  	v32 =	vand.u32 $0x1FFF, v22;
	v25 =	vmul.f32 v20, v53;
	v18 =	vadd.f32 v47, v26  }
0x112: {  	v20 =	vmul.f32 v27, v35;
	v19 =	vmul.f32 v24, v35;
	v24 =	vadd.f32 v28, v28  }
0x113: {  	v17 =	vadd.f32 v25, v23;
	v23 =	vadd.s32 $0x1FFC, v15;
	v18 =	vmul.f32 v18, v35  }
0x114: {  	v25 =	vadd.s32 $0x1FFD, v16;
	v22 =	vadd.f32 $-1.000000000e+00, v24;
	v24 =	vmul.f32 v21, v21  }
0x115: {  	v31 =	vand.u32 $0x1FFF, v23;
	v23 =	vadd.s32 $0x3, v15;
	v17 =	vmul.f32 v17, v35  }
0x116: {  	v27 =	vand.u32 $0x1FFF, v23;
	v23 =	vmul.f32 v22, v22;
	v49 =	vmul.f32 $6.313917160e+00, v24  }
0x117: {  	v26 =	vand.u32 $0x1FFF, v25;
	v50 =	vmul.f32 $6.836809640e+00, v24;
	v53 =	vmul.f32 $1.712478260e+01, v24  }
0x118: {  	v25 =	vadd.s32 $0x1FFD, v15;
	v55 =	vmul.f32 $3.816824720e+01, v24;
	v57 =	vmul.f32 $2.333320430e+01, v24  }
0x119: {  	v25 =	vand.u32 $0x1FFF, v25;
	v59 =	vmul.f32 $1.927003170e+02, v24;
	v61 =	vmul.f32 $1.153023620e+01, v24  }
0x11a: {  	v51 =	vmul.f32 $6.313917160e+00, v23;
	v52 =	vmul.f32 $6.836809640e+00, v23;
	v33 =	vsub.f32 $1.254091950e+02, v49  }
0x11b: {  	v34 =	vsub.f32 $7.631654660e+02, v50;
	v54 =	vmul.f32 $1.712478260e+01, v23;
	v36 =	vsub.f32 $6.792153320e+02, v53  }
0x11c: {  	v56 =	vmul.f32 $3.816824720e+01, v23;
	v38 =	vadd.f32 $1.606314210e+03, v55;
	v58 =	vmul.f32 $2.333320430e+01, v23  }
0x11d: {  	v40 =	vsub.f32 $1.252984860e+03, v57;
	v60 =	vmul.f32 $1.927003170e+02, v23;
	v42 =	vadd.f32 $-2.613509280e+03, v59  }
0x11e: {  	v62 =	vmul.f32 $1.153023620e+01, v23;
	v44 =	vsub.f32 $7.022843630e+02, v61;
	v57 =	vmul.f32 $3.671265870e+02, v24  }
0x11f: {  	v61 =	vadd.s32 $0x2, v16;
	v29 =	vsub.f32 $1.254091950e+02, v51;
	v35 =	vsub.f32 $7.631654660e+02, v52  }
0x120: {  	v33 =	vmul.f32 v33, v24;
	v34 =	vmul.f32 v34, v24;
	v37 =	vsub.f32 $6.792153320e+02, v54  }
0x121: {  	v36 =	vmul.f32 v36, v24;
	v39 =	vadd.f32 $1.606314210e+03, v56;
	v38 =	vmul.f32 v38, v24  }
0x122: {  	v41 =	vsub.f32 $1.252984860e+03, v58;
	v40 =	vmul.f32 v40, v24;
	v43 =	vadd.f32 $-2.613509280e+03, v60  }
0x123: {  	v42 =	vmul.f32 v42, v24;
	v45 =	vsub.f32 $7.022843630e+02, v62;
	v58 =	vmul.f32 $3.671265870e+02, v23  }
0x124: {  	v44 =	vmul.f32 v44, v24;
	v50 =	vadd.f32 $-1.054034960e+04, v57;
	v62 =	vadd.s32 $0x2, v15  }
0x125: {  	v51 =	vand.u32 $0x1FFF, v61;
	v56 =	vand.u32 $0x1FFF, v62;
	v29 =	vmul.f32 v29, v23  }
0x126: {  	v35 =	vmul.f32 v35, v23;
	v33 =	vadd.f32 $2.304133790e+03, v33;
	v34 =	vadd.f32 $4.195156250e+03, v34  }
0x127: {  	v37 =	vmul.f32 v37, v23;
	v36 =	vadd.f32 $-7.072537110e+03, v36;
	v39 =	vmul.f32 v39, v23  }
0x128: {  	v38 =	vadd.f32 $-5.593729300e+04, v38;
	v41 =	vmul.f32 v41, v23;
	v40 =	vadd.f32 $-3.498903910e+04, v40  }
0x129: {  	v43 =	vmul.f32 v43, v23;
	v42 =	vadd.f32 $-4.240294920e+04, v42;
	v45 =	vmul.f32 v45, v23  }
0x12a: {  	v60 =	vadd.f32 $-1.054034960e+04, v58;
	v44 =	vadd.f32 $-2.561720510e+04, v44;
	v50 =	vmul.f32 v50, v24  }
0x12b: {  	v29 =	vadd.f32 $2.304133790e+03, v29;
	v33 =	vmul.f32 v33, v24;
	v35 =	vadd.f32 $4.195156250e+03, v35  }
0x12c: {  	v34 =	vmul.f32 v34, v24;
	v37 =	vadd.f32 $-7.072537110e+03, v37;
	v36 =	vmul.f32 v36, v24  }
0x12d: {  	v39 =	vadd.f32 $-5.593729300e+04, v39;
	v38 =	vmul.f32 v38, v24;
	v41 =	vadd.f32 $-3.498903910e+04, v41  }
0x12e: {  	v40 =	vmul.f32 v40, v24;
	v43 =	vadd.f32 $-4.240294920e+04, v43;
	v42 =	vmul.f32 v42, v24  }
0x12f: {  	v45 =	vadd.f32 $-2.561720510e+04, v45;
	v28 =	vmul.f32 v60, v23;
	v60 =	vadd.s32 $0x1FFE, v15  }
0x130: {  	v44 =	vmul.f32 v44, v24;
	v50 =	vadd.f32 $1.818280000e+05, v50;
	v60 =	vand.u32 $0x1FFF, v60  }
0x131: {  	v46 =	vld.idx.msk [tilespmem:v30+s2+$0x0], $0xffff;
	v29 =	vmul.f32 v29, v23;
	v33 =	vadd.f32 $4.637730960e+03, v33;
	v35 =	vmul.f32 v35, v23  }
0x132: {  	v48 =	vld.idx.msk [tilespmem:v30+s17+$0x0], $0xffff;
	v34 =	vadd.f32 $2.863000980e+03, v34;
	v37 =	vmul.f32 v37, v23;
	v36 =	vadd.f32 $-1.584707810e+05, v36  }
0x133: {  	v47 =	vld.idx.msk [tilespmem:v30+s16+$0x0], $0xffff;
	v39 =	vmul.f32 v39, v23;
	v38 =	vadd.f32 $-2.201894220e+05, v38;
	v41 =	vmul.f32 v41, v23  }
0x134: {  	v30 =	vld.idx.msk [tilespmem:v30+s18+$0x0], $0xffff;
	v40 =	vadd.f32 $3.846238440e+05, v40;
	v29 =	vadd.f32 $4.637730960e+03, v29;
	v33 =	vmul.f32 v33, v24  }
0x135: {  	v53 =	vld.idx.msk [tilespmem:v31+s2+$0x0], $0xffff;
	v43 =	vmul.f32 v43, v23;
	v42 =	vadd.f32 $1.496549250e+06, v42;
	v35 =	vadd.f32 $2.863000980e+03, v35  }
0x136: {  	v55 =	vld.idx.msk [tilespmem:v31+s17+$0x0], $0xffff;
	v34 =	vmul.f32 v34, v21;
	v29 =	vmul.f32 v29, v23;
	v33 =	vadd.f32 $7.550222160e+02, v33  }
0x137: {  	v54 =	vld.idx.msk [tilespmem:v31+s16+$0x0], $0xffff;
	v45 =	vmul.f32 v45, v23;
	v28 =	vadd.f32 $1.818280000e+05, v28;
	v37 =	vadd.f32 $-1.584707810e+05, v37  }
0x138: {  	v31 =	vld.idx.msk [tilespmem:v31+s18+$0x0], $0xffff;
	v35 =	vmul.f32 v35, v22;
	v29 =	vadd.f32 $7.550222160e+02, v29;
	v63 =	vadd.f32 v33, v34  }
0x139: {  	v57 =	vld.idx.msk [tilespmem:v27+s16+$0x0], $0xffff;
	v44 =	vadd.f32 $5.477343130e+05, v44;
	v36 =	vmul.f32 v36, v24;
	v39 =	vadd.f32 $-2.201894220e+05, v39  }
0x13a: {  	v61 =	vld.idx.msk [tilespmem:v26+s2+$0x0], $0xffff;
	v37 =	vmul.f32 v37, v23;
	v59 =	vadd.f32 v29, v35;
	v49 =	vnsel vm14, $0x0, v63  }
0x13b: {  	v58 =	vld.idx.msk [tilespmem:v27+s17+$0x0], $0xffff;
	v29 =	vsub.f32 v35, v29;
	v63 =	vmul.f32 v49, v46;
	v46 =	vmul.f32 v49, v47  }
0x13c: {  	v35 =	vld.idx.msk [tilespmem:v32+s2+$0x0], $0xffff;
	v47 =	vmul.f32 v49, v48;
	v30 =	vmul.f32 v49, v30;
	v52 =	vnsel vm15, $0x0, v59  }
0x13d: {  	v41 =	vadd.f32 $3.846238440e+05, v41;
	v48 =	vmul.f32 v52, v53;
	v49 =	vmul.f32 v52, v54;
	v53 =	vld.idx.msk [tilespmem:v32+s16+$0x0], $0xffff  }
0x13e: {  	v43 =	vadd.f32 $1.496549250e+06, v43;
	v54 =	vmul.f32 v52, v55;
	v31 =	vmul.f32 v52, v31;
	v52 =	vld.idx.msk [tilespmem:v32+s17+$0x0], $0xffff  }
0x13f: {  	v38 =	vmul.f32 v38, v21;
	v36 =	vadd.f32 $-1.252314840e+05, v36;
	v33 =	vsub.f32 v34, v33;
	v32 =	vld.idx.msk [tilespmem:v32+s18+$0x0], $0xffff  }
0x140: {  	v39 =	vmul.f32 v39, v22;
	v37 =	vadd.f32 $-1.252314840e+05, v37;
	v59 =	vadd.s32 $0x1FFE, v16;
	v55 =	vld.idx.msk [tilespmem:v27+s2+$0x0], $0xffff  }
0x141: {  	v57 =	vmul.f32 v29, v57;
	v34 =	vadd.f32 $0.0e+00, v63;
	v27 =	vld.idx.msk [tilespmem:v27+s18+$0x0], $0xffff;
	v35 =	vmul.f32 v33, v35  }
0x142: {  	v62 =	vld.idx.msk [tilespmem:v26+s16+$0x0], $0xffff;
	v58 =	vmul.f32 v29, v58;
	v46 =	vadd.f32 $0.0e+00, v46;
	v49 =	vadd.f32 $0.0e+00, v49  }
0x143: {  	v63 =	vadd.f32 v36, v38;
	v59 =	vand.u32 $0x1FFF, v59;
	v34 =	vadd.f32 v34, v35;
	v35 =	vld.idx.msk [tilespmem:v25+s2+$0x0], $0xffff  }
0x144: {  	v49 =	vadd.f32 v49, v57;
	v57 =	vld.idx.msk [tilespmem:v51+s17+$0x0], $0xffff;
	v53 =	vmul.f32 v33, v53;
	v52 =	vmul.f32 v33, v52  }
0x145: {  	v47 =	vadd.f32 $0.0e+00, v47;
	v32 =	vmul.f32 v33, v32;
	v33 =	vmul.f32 v29, v55;
	v55 =	vld.idx.msk [tilespmem:v26+s17+$0x0], $0xffff  }
0x146: {  	v61 =	vmul.f32 v63, v61;
	v26 =	vld.idx.msk [tilespmem:v26+s18+$0x0], $0xffff;
	v27 =	vmul.f32 v29, v27;
	v29 =	vadd.f32 v37, v39  }
0x147: {  	v37 =	vsub.f32 v39, v37;
	v39 =	vmul.f32 v42, v21;
	v42 =	vmul.f32 v43, v22;
	v43 =	vld.idx.msk [tilespmem:v56+s18+$0x0], $0xffff  }
0x148: {  	v50 =	vmul.f32 v50, v24;
	v54 =	vadd.f32 $0.0e+00, v54;
	v34 =	vadd.f32 v34, v61;
	v61 =	vld.idx.msk [tilespmem:v59+s16+$0x0], $0xffff  }
0x149: {  	v40 =	vmul.f32 v40, v24;
	v30 =	vadd.f32 $0.0e+00, v30;
	v46 =	vadd.f32 v46, v53;
	v53 =	vld.idx.msk [tilespmem:v25+s16+$0x0], $0xffff  }
0x14a: {  	v54 =	vadd.f32 v54, v58;
	v58 =	vadd.s32 $0x1, v16;
	v47 =	vadd.f32 v47, v52;
	v52 =	vld.idx.msk [tilespmem:v25+s17+$0x0], $0xffff  }
0x14b: {  	v45 =	vadd.f32 $5.477343130e+05, v45;
	v48 =	vadd.f32 $0.0e+00, v48;
	v58 =	vand.u32 $0x1FFF, v58;
	v25 =	vld.idx.msk [tilespmem:v25+s18+$0x0], $0xffff  }
0x14c: {  	v28 =	vmul.f32 v28, v23;
	v50 =	vadd.f32 $-1.492470380e+06, v50;
	v30 =	vadd.f32 v30, v32;
	v32 =	vld.idx.msk [tilespmem:v51+s2+$0x0], $0xffff  }
0x14d: {  	v24 =	vmul.f32 v44, v24;
	v31 =	vadd.f32 $0.0e+00, v31;
	v33 =	vadd.f32 v48, v33;
	v48 =	vld.idx.msk [tilespmem:v51+s16+$0x0], $0xffff  }
0x14e: {  	v41 =	vmul.f32 v41, v23;
	v40 =	vadd.f32 $1.665456000e+06, v40;
	v23 =	vmul.f32 v45, v23;
	v51 =	vld.idx.msk [tilespmem:v51+s18+$0x0], $0xffff  }
0x14f: {  	v28 =	vadd.f32 $-1.492470380e+06, v28;
	v27 =	vadd.f32 v31, v27;
	v31 =	vmul.f32 v29, v35;
	v35 =	vld.idx.msk [tilespmem:v56+s2+$0x0], $0xffff  }
0x150: {  	v24 =	vadd.f32 $-5.311669500e+06, v24;
	v41 =	vadd.f32 $1.665456000e+06, v41;
	v44 =	vld.idx.msk [tilespmem:v58+s2+$0x0], $0xffff  }
0x151: {  	v23 =	vadd.f32 $-5.311669500e+06, v23;
	v62 =	vmul.f32 v63, v62;
	v21 =	vmul.f32 v50, v21;
	v45 =	vld.idx.msk [tilespmem:v58+s16+$0x0], $0xffff  }
0x152: {  	v22 =	vmul.f32 v28, v22;
	v55 =	vmul.f32 v63, v55;
	v31 =	vadd.f32 v33, v31;
	v33 =	vld.idx.msk [tilespmem:v60+s2+$0x0], $0xffff  }
0x153: {  	v36 =	vsub.f32 v38, v36;
	v26 =	vmul.f32 v63, v26;
	v38 =	vmul.f32 v29, v53;
	v53 =	vld.idx.msk [tilespmem:v56+s16+$0x0], $0xffff  }
0x154: {  	v46 =	vadd.f32 v46, v62;
	v52 =	vmul.f32 v29, v52;
	v25 =	vmul.f32 v29, v25;
	v29 =	vld.idx.msk [tilespmem:v56+s17+$0x0], $0xffff  }
0x155: {  	v62 =	vadd.s32 $0xFFFFFFFF, v16;
	v57 =	vmul.f32 v36, v57;
	v63 =	vadd.s32 $0x1, v15;
	v56 =	vld.idx.msk [tilespmem:v59+s2+$0x0], $0xffff  }
0x156: {  	v63 =	vand.u32 $0x1FFF, v63;
	v47 =	vadd.f32 v47, v55;
	v55 =	vld.idx.msk [tilespmem:v59+s17+$0x0], $0xffff;
	v26 =	vadd.f32 v30, v26  }
0x157: {  	v30 =	vadd.s32 $0xFFFFFFFF, v15;
	v59 =	vld.idx.msk [tilespmem:v59+s18+$0x0], $0xffff;
	v32 =	vmul.f32 v36, v32;
	v48 =	vmul.f32 v36, v48  }
0x158: {  	v36 =	vmul.f32 v36, v51;
	v38 =	vadd.f32 v49, v38;
	v49 =	vadd.f32 v54, v52;
	v52 =	vld.idx.msk [tilespmem:v60+s16+$0x0], $0xffff  }
0x159: {  	v51 =	vadd.f32 v40, v39;
	v25 =	vadd.f32 v27, v25;
	v27 =	vmul.f32 v37, v35;
	v35 =	vld.idx.msk [tilespmem:v60+s17+$0x0], $0xffff  }
0x15a: {  	s1 =	simm.s32 $0xA020;
	v39 =	vsub.f32 v39, v40;
	v30 =	vand.u32 $0x1FFF, v30;
	v54 =	vld.idx.msk [tilespmem:v60+s18+$0x0], $0xffff;
	v32 =	vadd.f32 v34, v32  }
0x15b: {  	[tilespmem:s1+$0x0] =	vst v12;
	v34 =	vand.u32 $0x1FFF, v62;
	v60 =	vld.idx.msk [tilespmem:v58+s17+$0x0], $0xffff;
	v46 =	vadd.f32 v46, v48;
	v47 =	vadd.f32 v47, v57  }
0x15c: {  	v44 =	vmul.f32 v44, v39;
	v45 =	vmul.f32 v45, v39;
	v27 =	vadd.f32 v31, v27;
	v31 =	vld.idx.msk [tilespmem:v63+s2+$0x0], $0xffff  }
0x15d: {  	v26 =	vadd.f32 v26, v36;
	v62 =	vld.idx.msk [tilespmem:v63+s18+$0x0], $0xffff;
	v53 =	vmul.f32 v37, v53;
	v29 =	vmul.f32 v37, v29  }
0x15e: {  	v37 =	vmul.f32 v37, v43;
	v43 =	vadd.f32 v41, v42;
	v48 =	vmul.f32 v51, v56;
	v56 =	vld.idx.msk [tilespmem:v58+s18+$0x0], $0xffff  }
0x15f: {  	v58 =	vmul.f32 v51, v61;
	v55 =	vmul.f32 v51, v55;
	v41 =	vsub.f32 v42, v41;
	v57 =	vld.idx.msk [tilespmem:v30+s2+$0x0], $0xffff  }
0x160: {  	v51 =	vmul.f32 v59, v51;
	v59 =	vld.idx.msk [tilespmem:v30+s16+$0x0], $0xffff;
	v38 =	vadd.f32 v38, v53;
	v29 =	vadd.f32 v49, v29  }
0x161: {  	v49 =	vld.idx.msk [tilespmem:v63+s16+$0x0], $0xffff;
	v25 =	vadd.f32 v25, v37;
	v33 =	vmul.f32 v43, v33;
	v61 =	vmul.f32 v43, v52  }
0x162: {  	s21 =	simm.s32 $0xC020;
	v37 =	vld.idx.msk [tilespmem:v63+s17+$0x0], $0xffff;
	v35 =	vmul.f32 v43, v35;
	v63 =	vmul.f32 v54, v43;
	v54 =	vadd.f32 v32, v48  }
0x163: {  	[tilespmem:s21+$0x0] =	vst v11;
	v11 =	vld.idx.msk [tilespmem:v30+s18+$0x0], $0xffff;
	v32 =	vand.u32 $0x1FFF, v16;
	v48 =	vand.u32 $0x1FFF, v15;
	v36 =	vadd.f32 v46, v58  }
0x164: {  	s19 =	simm.s32 $0xE020;
	v53 =	vld.idx.msk [tilespmem:v34+s2+$0x0], $0xffff;
	v55 =	vadd.f32 v47, v55;
	v26 =	vadd.f32 v26, v51;
	v58 =	vmul.f32 v60, v39  }
0x165: {  	s22 =	simm.s32 $0x10020;
	[tilespmem:s19+$0x0] =	vst v10;
	v12 =	vld.idx.msk [tilespmem:v34+s16+$0x0], $0xffff;
	v16 =	vand.u32 $0x1, v16;
	v27 =	vadd.f32 v27, v33;
	v38 =	vadd.f32 v38, v61  }
0x166: {  	[tilespmem:s22+$0x0] =	vst v9;
	v50 =	vld.idx.msk [tilespmem:v34+s17+$0x0], $0xffff;
	v51 =	vand.u32 $0x1, v15;
	v29 =	vadd.f32 v29, v35;
	v25 =	vadd.f32 v25, v63  }
0x167: {  	v34 =	vld.idx.msk [tilespmem:v34+s18+$0x0], $0xffff;
	v31 =	vmul.f32 v31, v41;
	v61 =	vadd.f32 v24, v21;
	v63 =	vadd.f32 v23, v22  }
0x168: {  	v60 =	vld.idx.msk [tilespmem:v30+s17+$0x0], $0xffff;
	v62 =	vmul.f32 v62, v41;
	v28 =	vadd.f32 v54, v44;
	v36 =	vadd.f32 v36, v45  }
0x169: {  	v46 =	vadd.f32 v55, v58;
	v24 =	vsub.f32 v21, v24;
	v39 =	vmul.f32 v56, v39;
	v10 =	vld.idx.msk [tilespmem:v32+s2+$0x0], $0xffff  }
0x16a: {  	v58 =	vsub.f32 v22, v23;
	v33 =	vmul.f32 v57, v63;
	v22 =	vmul.f32 v59, v63;
	v52 =	vld.idx.msk [tilespmem:v32+s16+$0x0], $0xffff  }
0x16b: {  	v27 =	vadd.f32 v27, v31;
	v49 =	vmul.f32 v49, v41;
	v15 =	vmul.f32 v53, v61;
	v53 =	vld.idx.msk [tilespmem:v32+s17+$0x0], $0xffff  }
0x16c: {  	v25 =	vadd.f32 v25, v62;
	v37 =	vmul.f32 v37, v41;
	v12 =	vmul.f32 v12, v61;
	v32 =	vld.idx.msk [tilespmem:v32+s18+$0x0], $0xffff  }
0x16d: {  	v26 =	vadd.f32 v26, v39;
	v55 =	vmul.f32 v50, v61;
	v56 =	vld.idx.msk [tilespmem:v48+s2+$0x0], $0xffff;
	v21 =	vmul.f32 v34, v61  }
0x16e: {  	v57 =	vld.idx.msk [tilespmem:v48+s16+$0x0], $0xffff;
	v23 =	vmul.f32 v60, v63;
	v9 =	vadd.f32 v27, v33;
	v54 =	vadd.f32 v38, v49  }
0x16f: {  	v59 =	vld.idx.msk [tilespmem:v48+s17+$0x0], $0xffff;
	v61 =	vmul.f32 v11, v63;
	v29 =	vadd.f32 v29, v37;
	v15 =	vadd.f32 v28, v15  }
0x170: {  	[tilespmem:s1+$0xFFFFFFE0] =	vst v13;
	v60 =	vcvt.s32.f32 v16;
	v62 =	vld.idx.msk [tilespmem:v48+s18+$0x0], $0xffff;
	v16 =	vadd.f32 v36, v12;
	v11 =	vadd.f32 v55, v46  }
0x171: {  	s23 =	simm.s32 $0xA050;
	[tilespmem:s21+$0xFFFFFFE0] =	vst v14;
	v63 =	vcvt.s32.f32 v51;
	v12 =	vadd.f32 v21, v26;
	v14 =	vadd.f32 v61, v25  }
0x172: {  	s28 =	simm.s32 $0xDFE0;
	s24 =	simm.s32 $0xC050;
	[tilespmem:s23+$0x0] =	vst v20;
	v26 =	vadd.f32 v60, v60;
	v21 =	vmul.f32 v10, v24;
	v20 =	vmul.f32 v52, v24  }
0x173: {  	s29 =	simm.s32 $0xBFE0;
	s3 =	simm.s32 $0xE050;
	s30 =	simm.s32 $0x1FD0;
	[tilespmem:s24+$0x0] =	vst v19;
	v10 =	vadd.f32 v23, v29;
	v23 =	vmul.f32 v53, v24;
	v19 =	vmul.f32 v32, v24  }
0x174: {  	s31 =	simm.s32 $0x11FE0;
	s4 =	simm.s32 $0x10050;
	s5 =	simm.s32 $0x30;
	[tilespmem:s3+$0x0] =	vst v18;
	v13 =	vadd.f32 v54, v22;
	v22 =	vmul.f32 v56, v58;
	v24 =	vmul.f32 v57, v58  }
0x175: {  	s6 =	simm.s32 $0x8070;
	s0 =	simm.s32 $0xFFE0;
	s26 =	simm.s32 $0x9FE0;
	[tilespmem:s4+$0x0] =	vst v17;
	v18 =	vadd.f32 v63, v63;
	v25 =	vmul.f32 v59, v58;
	v17 =	vmul.f32 v62, v58  }
.LBB2_2:
0x176: {  	v27 =	vld [tilespmem:s6+$0x10];
	v15 =	vadd.f32 v21, v15;
	v16 =	vadd.f32 v20, v16;
	v20 =	vmul.f32 v4, v8  }
0x177: {  	v4 =	vadd.f32 v23, v11;
	v8 =	vmul.f32 v2, v8;
	v2 =	vadd.f32 v19, v12;
	v21 =	vld [tilespmem:s6+$0x0]  }
0x178: {  	v11 =	vadd.f32 v24, v13;
	v13 =	vmul.f32 v3, v7;
	v3 =	vadd.f32 v22, v9;
	v12 =	vld [tilespmem:s6+$0xFFFFFFF0];
	[tilespmem:s19+$0xFFFFFFE0] =	vst v20  }
0x179: {  	v9 =	vadd.f32 v25, v10;
	v10 =	vadd.f32 v17, v14;
	v14 =	vmul.f32 v6, v7;
	[tilespmem:s22+$0xFFFFFFE0] =	vst v8  }
0x17a: {  	v17 =	vsub.f32 $1.000000000e+00, v18;
	v6 =	vmovc v11;
	v8 =	vsub.f32 $1.000000000e+00, v26;
	[tilespmem:s1+$0xFFFFFFF0] =	vst v13;
	v13 =	vmul.f32 v5, v7;
	s1 =	smov.u32 s23  }
0x17b: {  	v5 =	vmovc v9;
	v18 =	vmul.f32 $8.192000000e+03, v27;
	[tilespmem:s21+$0xFFFFFFF0] =	vst v14;
	v14 =	vmul.f32 v1, v7;
	v1 =	vmov v10;
	s21 =	smov.u32 s24  }
0x17c: {  	v9 =	vmul.f32 v15, v8;
	v7 =	vmov v17;
	v11 =	vmul.f32 $8.192000000e+03, v21;
	[tilespmem:s19+$0xFFFFFFF0] =	vst v13;
	s19 =	smov.u32 s3  }
0x17d: {  	v12 =	vmul.f32 $8.192000000e+03, v12;
	v10 =	vtrunc.f32 v18;
	[tilespmem:s22+$0xFFFFFFF0] =	vst v14;
	s22 =	smov.u32 s4  }
0x17e: {  	v13 =	vtrunc.f32 v11;
	v14 =	vcvt.f32.s32 v10;
	vm0 =	vgt.f32 v18, v10;
	[tilespmem:s23+$0xFFFFFFE0] =	vst v9  }
0x17f: {  	v9 =	vtrunc.f32 v12;
	v15 =	vcvt.f32.s32 v13;
	v10 =	vsel vm0, $0x1, v0  }
0x180: {  	v17 =	vcvt.f32.s32 v9;
	vm0 =	vgt.f32 v12, v9;
	v19 =	vadd.s32 v14, v10  }
0x181: {  	s5 =	sadd.s32 $0x30, s5;
	v9 =	vsel vm0, $0x1, v0;
	vm0 =	vgt.f32 v11, v13;
	v13 =	vcvt.s32.f32 v19  }
0x182: {  	p0 =	slt.u32 s5, $0x1FB0;
	v16 =	vmul.f32 v16, v8;
	v10 =	vadd.s32 v17, v9;
	v9 =	vsel vm0, $0x1, v0  }
0x183: {  	v14 =	vcvt.s32.f32 v10;
	v9 =	vadd.s32 v15, v9;
	v23 =	vsub.f32 v13, v18  }
0x184: {  	v17 =	vand.u32 $0x1, v19;
	v13 =	vadd.s32 $0x1FFC, v10;
	v15 =	vcvt.s32.f32 v9;
	[tilespmem:s24+$0xFFFFFFE0] =	vst v16  }
0x185: {  	v20 =	vadd.s32 $0xFFFFFFFF, v19;
	v16 =	vand.u32 $0x1FFF, v19;
	v18 =	vadd.f32 v23, v23  }
0x186: {  	v22 =	vadd.s32 $0x2, v19;
	v21 =	vadd.s32 $0x1FFE, v19;
	v24 =	vadd.s32 $0x1, v19  }
0x187: {  	v26 =	vadd.s32 $0x3, v19;
	v27 =	vadd.s32 $0x1FFD, v19;
	v25 =	vadd.f32 $-1.000000000e+00, v18  }
0x188: {  	v28 =	vadd.s32 $0x1FFC, v19;
	v29 =	vcvt.s32.f32 v17;
	v17 =	vand.u32 $0x1FFF, v20  }
0x189: {  	v19 =	vand.u32 $0x1FFF, v21;
	v18 =	vand.u32 $0x1FFF, v24;
	v30 =	vmul.f32 v25, v25  }
0x18a: {  	v20 =	vand.u32 $0x1FFF, v22;
	v21 =	vand.u32 $0x1FFF, v27;
	v24 =	vand.u32 $0x1FFF, v26  }
0x18b: {  	v26 =	vand.u32 $0x1FFF, v28;
	v27 =	vmul.f32 $1.153023620e+01, v30;
	v28 =	vmul.f32 $3.671265870e+02, v30  }
0x18c: {  	v22 =	vadd.f32 v29, v29;
	v29 =	vmul.f32 $2.333320430e+01, v30;
	v31 =	vmul.f32 $1.927003170e+02, v30  }
0x18d: {  	vm0 =	vgt.f32 v23, $0.0e+00;
	v23 =	vmul.f32 $1.712478260e+01, v30;
	v32 =	vmul.f32 $3.816824720e+01, v30  }
0x18e: {  	v33 =	vmul.f32 $6.836809640e+00, v30;
	v27 =	vsub.f32 $7.022843630e+02, v27;
	v28 =	vadd.f32 $-1.054034960e+04, v28  }
0x18f: {  	v34 =	vmul.f32 $6.313917160e+00, v30;
	v29 =	vsub.f32 $1.252984860e+03, v29;
	v31 =	vadd.f32 $-2.613509280e+03, v31  }
0x190: {  	v23 =	vsub.f32 $6.792153320e+02, v23;
	v32 =	vadd.f32 $1.606314210e+03, v32;
	v28 =	vmul.f32 v28, v30  }
0x191: {  	v33 =	vsub.f32 $7.631654660e+02, v33;
	v31 =	vmul.f32 v31, v30;
	v27 =	vmul.f32 v27, v30  }
0x192: {  	v34 =	vsub.f32 $1.254091950e+02, v34;
	v32 =	vmul.f32 v32, v30;
	v29 =	vmul.f32 v29, v30;
	v35 =	vld.idx.msk [tilespmem:v16+s2+$0x0], $0xffff  }
0x193: {  	v23 =	vmul.f32 v23, v30;
	v27 =	vadd.f32 $-2.561720510e+04, v27;
	v28 =	vadd.f32 $1.818280000e+05, v28;
	v36 =	vld.idx.msk [tilespmem:v16+s16+$0x0], $0xffff  }
0x194: {  	v33 =	vmul.f32 v33, v30;
	v29 =	vadd.f32 $-3.498903910e+04, v29;
	v31 =	vadd.f32 $-4.240294920e+04, v31;
	v37 =	vld.idx.msk [tilespmem:v17+s2+$0x0], $0xffff  }
0x195: {  	v34 =	vmul.f32 v34, v30;
	v23 =	vadd.f32 $-7.072537110e+03, v23;
	v32 =	vadd.f32 $-5.593729300e+04, v32;
	v38 =	vld.idx.msk [tilespmem:v17+s16+$0x0], $0xffff  }
0x196: {  	v33 =	vadd.f32 $4.195156250e+03, v33;
	v27 =	vmul.f32 v27, v30;
	v28 =	vmul.f32 v28, v30;
	v39 =	vld.idx.msk [tilespmem:v18+s2+$0x0], $0xffff  }
0x197: {  	v34 =	vadd.f32 $2.304133790e+03, v34;
	v29 =	vmul.f32 v29, v30;
	v31 =	vmul.f32 v31, v30;
	v40 =	vld.idx.msk [tilespmem:v18+s16+$0x0], $0xffff  }
0x198: {  	v23 =	vmul.f32 v23, v30;
	v32 =	vmul.f32 v32, v30;
	v28 =	vadd.f32 $-1.492470380e+06, v28;
	v41 =	vld.idx.msk [tilespmem:v19+s2+$0x0], $0xffff  }
0x199: {  	v34 =	vmul.f32 v34, v30;
	v31 =	vadd.f32 $1.496549250e+06, v31;
	v27 =	vadd.f32 $5.477343130e+05, v27;
	v42 =	vld.idx.msk [tilespmem:v19+s16+$0x0], $0xffff  }
0x19a: {  	v33 =	vmul.f32 v33, v30;
	v23 =	vadd.f32 $-1.584707810e+05, v23;
	v29 =	vadd.f32 $3.846238440e+05, v29;
	v43 =	vld.idx.msk [tilespmem:v20+s2+$0x0], $0xffff  }
0x19b: {  	v34 =	vadd.f32 $4.637730960e+03, v34;
	v32 =	vadd.f32 $-2.201894220e+05, v32;
	v27 =	vmul.f32 v27, v30;
	v44 =	vld.idx.msk [tilespmem:v20+s16+$0x0], $0xffff  }
0x19c: {  	v33 =	vadd.f32 $2.863000980e+03, v33;
	v23 =	vmul.f32 v23, v30;
	v29 =	vmul.f32 v29, v30;
	v45 =	vld.idx.msk [tilespmem:v21+s2+$0x0], $0xffff  }
0x19d: {  	v30 =	vmul.f32 v34, v30;
	v28 =	vmul.f32 v28, v25;
	v27 =	vadd.f32 $-5.311669500e+06, v27;
	v34 =	vld.idx.msk [tilespmem:v21+s16+$0x0], $0xffff  }
0x19e: {  	v31 =	vmul.f32 v31, v25;
	v23 =	vadd.f32 $-1.252314840e+05, v23;
	v29 =	vadd.f32 $1.665456000e+06, v29;
	v46 =	vld.idx.msk [tilespmem:v24+s2+$0x0], $0xffff  }
0x19f: {  	v32 =	vmul.f32 v32, v25;
	v30 =	vadd.f32 $7.550222160e+02, v30;
	v48 =	vsub.f32 v28, v27;
	v47 =	vld.idx.msk [tilespmem:v24+s16+$0x0], $0xffff  }
0x1a0: {  	v25 =	vmul.f32 v33, v25;
	v49 =	vsub.f32 v31, v29;
	v27 =	vadd.f32 v27, v28;
	v33 =	vld.idx.msk [tilespmem:v26+s2+$0x0], $0xffff  }
0x1a1: {  	v29 =	vadd.f32 v29, v31;
	v31 =	vmul.f32 v35, v48;
	v35 =	vmul.f32 v36, v48;
	v28 =	vld.idx.msk [tilespmem:v26+s16+$0x0], $0xffff  }
0x1a2: {  	v50 =	vsub.f32 v32, v23;
	v37 =	vmul.f32 v37, v27;
	v38 =	vmul.f32 v38, v27;
	v36 =	vld.idx.msk [tilespmem:v26+s17+$0x0], $0xffff  }
0x1a3: {  	v51 =	vadd.f32 v30, v25;
	v39 =	vmul.f32 v39, v49;
	v40 =	vmul.f32 v40, v49;
	v26 =	vld.idx.msk [tilespmem:v26+s18+$0x0], $0xffff  }
0x1a4: {  	v23 =	vadd.f32 v23, v32;
	v32 =	vmul.f32 v29, v41;
	v41 =	vmul.f32 v29, v42;
	v52 =	vld.idx.msk [tilespmem:v24+s17+$0x0], $0xffff  }
0x1a5: {  	v42 =	vnsel vm0, $0x0, v51;
	v43 =	vmul.f32 v50, v43;
	v44 =	vmul.f32 v50, v44;
	v24 =	vld.idx.msk [tilespmem:v24+s18+$0x0], $0xffff  }
0x1a6: {  	v25 =	vsub.f32 v25, v30;
	v30 =	vmul.f32 v42, v33;
	v33 =	vmul.f32 v23, v45;
	v45 =	vld.idx.msk [tilespmem:v21+s17+$0x0], $0xffff  }
0x1a7: {  	v22 =	vsub.f32 $1.000000000e+00, v22;
	v34 =	vmul.f32 v23, v34;
	v28 =	vmul.f32 v42, v28;
	v21 =	vld.idx.msk [tilespmem:v21+s18+$0x0], $0xffff  }
0x1a8: {  	v46 =	vmul.f32 v25, v46;
	v30 =	vadd.f32 $0.0e+00, v30;
	v36 =	vmul.f32 v42, v36;
	v51 =	vld.idx.msk [tilespmem:v20+s17+$0x0], $0xffff  }
0x1a9: {  	v28 =	vadd.f32 $0.0e+00, v28;
	v26 =	vmul.f32 v42, v26;
	v42 =	vmul.f32 v25, v47;
	v20 =	vld.idx.msk [tilespmem:v20+s18+$0x0], $0xffff  }
0x1aa: {  	v36 =	vadd.f32 $0.0e+00, v36;
	v30 =	vadd.f32 v30, v46;
	v46 =	vmul.f32 v25, v52;
	v47 =	vld.idx.msk [tilespmem:v19+s17+$0x0], $0xffff  }
0x1ab: {  	v26 =	vadd.f32 $0.0e+00, v26;
	v28 =	vadd.f32 v28, v42;
	v24 =	vmul.f32 v25, v24;
	v19 =	vld.idx.msk [tilespmem:v19+s18+$0x0], $0xffff  }
0x1ac: {  	v25 =	vadd.f32 v36, v46;
	v30 =	vadd.f32 v30, v33;
	v33 =	vmul.f32 v23, v45;
	v36 =	vld.idx.msk [tilespmem:v18+s17+$0x0], $0xffff  }
0x1ad: {  	v24 =	vadd.f32 v26, v24;
	v26 =	vadd.f32 v28, v34;
	v21 =	vmul.f32 v23, v21;
	v18 =	vld.idx.msk [tilespmem:v18+s18+$0x0], $0xffff  }
0x1ae: {  	v23 =	vadd.f32 v25, v33;
	v25 =	vadd.f32 v30, v43;
	v28 =	vmul.f32 v50, v51;
	v30 =	vld.idx.msk [tilespmem:v17+s17+$0x0], $0xffff  }
0x1af: {  	v21 =	vadd.f32 v24, v21;
	v24 =	vadd.f32 v26, v44;
	v20 =	vmul.f32 v50, v20;
	v17 =	vld.idx.msk [tilespmem:v17+s18+$0x0], $0xffff  }
0x1b0: {  	v23 =	vadd.f32 v23, v28;
	v25 =	vadd.f32 v25, v32;
	v26 =	vmul.f32 v29, v47;
	v28 =	vld.idx.msk [tilespmem:v16+s17+$0x0], $0xffff  }
0x1b1: {  	v20 =	vadd.f32 v21, v20;
	v21 =	vadd.f32 v24, v41;
	v19 =	vmul.f32 v19, v29;
	v16 =	vld.idx.msk [tilespmem:v16+s18+$0x0], $0xffff  }
0x1b2: {  	v23 =	vadd.f32 v23, v26;
	v24 =	vadd.f32 v25, v39;
	v25 =	vmul.f32 v36, v49  }
0x1b3: {  	v19 =	vadd.f32 v20, v19;
	v20 =	vadd.f32 v21, v40;
	v18 =	vmul.f32 v18, v49  }
0x1b4: {  	v21 =	vadd.f32 v23, v25;
	v23 =	vadd.f32 v24, v37;
	v24 =	vmul.f32 v30, v27  }
0x1b5: {  	v18 =	vadd.f32 v19, v18;
	v19 =	vadd.f32 v20, v38;
	v17 =	vmul.f32 v17, v27  }
0x1b6: {  	v20 =	vadd.f32 v24, v21;
	v21 =	vadd.f32 v31, v23;
	v23 =	vmul.f32 v28, v48  }
0x1b7: {  	v17 =	vadd.f32 v17, v18;
	v18 =	vadd.f32 v35, v19;
	v16 =	vmul.f32 v16, v48  }
0x1b8: {  	v19 =	vsub.f32 v14, v12;
	v12 =	vadd.f32 v23, v20;
	v14 =	vmul.f32 v21, v22  }
0x1b9: {  	s23 =	sadd.s32 $0x30, s23;
	v15 =	vsub.f32 v15, v11;
	v11 =	vadd.f32 v16, v17;
	v16 =	vmul.f32 v18, v22  }
0x1ba: {  	s24 =	sadd.s32 $0x30, s24;
	v17 =	vadd.f32 v19, v19;
	v18 =	vadd.s32 $0x1FFC, v9;
	v12 =	vmul.f32 v12, v22;
	[tilespmem:s23+$0x0] =	vst v14  }
0x1bb: {  	s3 =	sadd.s32 $0x30, s3;
	v21 =	vand.u32 $0x1FFF, v13;
	v13 =	vadd.f32 v15, v15;
	v14 =	vmul.f32 v11, v22;
	[tilespmem:s24+$0x0] =	vst v16  }
0x1bc: {  	s4 =	sadd.s32 $0x30, s4;
	v11 =	vadd.f32 $-1.000000000e+00, v17;
	v17 =	vand.u32 $0x1FFF, v18;
	v16 =	vadd.s32 $0x3, v10;
	[tilespmem:s3+$0x0] =	vst v12  }
0x1bd: {  	v16 =	vand.u32 $0x1FFF, v16;
	v12 =	vadd.f32 $-1.000000000e+00, v13;
	v13 =	vadd.s32 $0x3, v9;
	[tilespmem:s4+$0x0] =	vst v14  }
0x1be: {  	v18 =	vadd.s32 $0x1FFD, v10;
	v14 =	vmul.f32 v11, v11;
	v24 =	vand.u32 $0x1FFF, v13  }
0x1bf: {  	v25 =	vand.u32 $0x1FFF, v18;
	v18 =	vadd.s32 $0x1FFD, v9;
	v13 =	vmul.f32 v12, v12  }
0x1c0: {  	v27 =	vand.u32 $0x1FFF, v18;
	v23 =	vmul.f32 $6.313917160e+00, v14;
	v26 =	vmul.f32 $6.836809640e+00, v14;
	v20 =	vld.idx.msk [tilespmem:v21+s2+$0x0], $0xffff  }
0x1c1: {  	vm0 =	vgt.f32 v19, $0.0e+00;
	v18 =	vmul.f32 $6.313917160e+00, v13;
	v19 =	vmul.f32 $6.836809640e+00, v13;
	v22 =	vld.idx.msk [tilespmem:v21+s16+$0x0], $0xffff  }
0x1c2: {  	v29 =	vmul.f32 $1.712478260e+01, v14;
	v23 =	vsub.f32 $1.254091950e+02, v23;
	v26 =	vsub.f32 $7.631654660e+02, v26;
	v28 =	vld.idx.msk [tilespmem:v21+s17+$0x0], $0xffff  }
0x1c3: {  	v18 =	vsub.f32 $1.254091950e+02, v18;
	v19 =	vsub.f32 $7.631654660e+02, v19;
	v31 =	vld.idx.msk [tilespmem:v21+s18+$0x0], $0xffff;
	v21 =	vmul.f32 $1.712478260e+01, v13  }
0x1c4: {  	v29 =	vsub.f32 $6.792153320e+02, v29;
	v23 =	vmul.f32 v23, v14;
	v26 =	vmul.f32 v26, v14;
	v34 =	vld.idx.msk [tilespmem:v17+s2+$0x0], $0xffff  }
0x1c5: {  	v18 =	vmul.f32 v18, v13;
	v19 =	vmul.f32 v19, v13;
	v36 =	vld.idx.msk [tilespmem:v17+s16+$0x0], $0xffff;
	v30 =	vsub.f32 $6.792153320e+02, v21  }
0x1c6: {  	v32 =	vmul.f32 $3.816824720e+01, v14;
	v33 =	vmul.f32 $3.816824720e+01, v13;
	v21 =	vadd.f32 $2.304133790e+03, v23;
	v38 =	vld.idx.msk [tilespmem:v17+s17+$0x0], $0xffff  }
0x1c7: {  	v37 =	vmul.f32 v29, v14;
	v35 =	vadd.f32 $4.195156250e+03, v26;
	v18 =	vadd.f32 $2.304133790e+03, v18;
	v39 =	vld.idx.msk [tilespmem:v17+s18+$0x0], $0xffff  }
0x1c8: {  	v19 =	vadd.f32 $4.195156250e+03, v19;
	v17 =	vmul.f32 v21, v14;
	v30 =	vmul.f32 v30, v13;
	v21 =	vld.idx.msk [tilespmem:v16+s2+$0x0], $0xffff  }
0x1c9: {  	v32 =	vadd.f32 $1.606314210e+03, v32;
	v40 =	vadd.f32 $1.606314210e+03, v33;
	v18 =	vmul.f32 v18, v13;
	v23 =	vld.idx.msk [tilespmem:v16+s16+$0x0], $0xffff  }
0x1ca: {  	v41 =	vmul.f32 $2.333320430e+01, v13;
	v33 =	vmul.f32 $2.333320430e+01, v14;
	v17 =	vadd.f32 $4.637730960e+03, v17;
	v26 =	vld.idx.msk [tilespmem:v16+s17+$0x0], $0xffff  }
0x1cb: {  	v35 =	vmul.f32 v35, v14;
	v29 =	vld.idx.msk [tilespmem:v16+s18+$0x0], $0xffff;
	v16 =	vadd.f32 $4.637730960e+03, v18;
	v18 =	vmul.f32 v19, v13  }
0x1cc: {  	v42 =	vmul.f32 v32, v14;
	v30 =	vadd.f32 $-7.072537110e+03, v30;
	v19 =	vadd.f32 $-7.072537110e+03, v37;
	v32 =	vld.idx.msk [tilespmem:v24+s2+$0x0], $0xffff  }
0x1cd: {  	v41 =	vsub.f32 $1.252984860e+03, v41;
	v43 =	vsub.f32 $1.252984860e+03, v33;
	v40 =	vmul.f32 v40, v13;
	v33 =	vld.idx.msk [tilespmem:v24+s16+$0x0], $0xffff  }
0x1ce: {  	v45 =	vmul.f32 $1.927003170e+02, v14;
	v46 =	vmul.f32 $1.927003170e+02, v13;
	v44 =	vadd.f32 $2.863000980e+03, v35;
	v35 =	vld.idx.msk [tilespmem:v24+s17+$0x0], $0xffff  }
0x1cf: {  	v47 =	vmul.f32 v17, v14;
	v48 =	vmul.f32 v16, v13;
	v49 =	vadd.f32 $2.863000980e+03, v18;
	v37 =	vld.idx.msk [tilespmem:v24+s18+$0x0], $0xffff  }
0x1d0: {  	v42 =	vadd.f32 $-5.593729300e+04, v42;
	v30 =	vmul.f32 v30, v13;
	v24 =	vmul.f32 v19, v14;
	v17 =	vld.idx.msk [tilespmem:v25+s2+$0x0], $0xffff  }
0x1d1: {  	v41 =	vmul.f32 v41, v13;
	v43 =	vmul.f32 v43, v14;
	v40 =	vadd.f32 $-5.593729300e+04, v40;
	v16 =	vld.idx.msk [tilespmem:v25+s16+$0x0], $0xffff  }
0x1d2: {  	v50 =	vmul.f32 $1.153023620e+01, v14;
	v45 =	vadd.f32 $-2.613509280e+03, v45;
	v46 =	vadd.f32 $-2.613509280e+03, v46;
	v18 =	vld.idx.msk [tilespmem:v25+s17+$0x0], $0xffff  }
0x1d3: {  	v51 =	vmul.f32 $1.153023620e+01, v13;
	v47 =	vadd.f32 $7.550222160e+02, v47;
	v48 =	vadd.f32 $7.550222160e+02, v48;
	v19 =	vld.idx.msk [tilespmem:v25+s18+$0x0], $0xffff  }
0x1d4: {  	v44 =	vmul.f32 v44, v11;
	v49 =	vmul.f32 v49, v12;
	v52 =	vadd.f32 $-1.584707810e+05, v24;
	v24 =	vld.idx.msk [tilespmem:v27+s2+$0x0], $0xffff  }
0x1d5: {  	v42 =	vmul.f32 v42, v14;
	v40 =	vmul.f32 v40, v13;
	v53 =	vadd.f32 $-1.584707810e+05, v30;
	v25 =	vld.idx.msk [tilespmem:v27+s16+$0x0], $0xffff  }
0x1d6: {  	v45 =	vmul.f32 v45, v14;
	v41 =	vadd.f32 $-3.498903910e+04, v41;
	v43 =	vadd.f32 $-3.498903910e+04, v43;
	v30 =	vld.idx.msk [tilespmem:v27+s17+$0x0], $0xffff  }
0x1d7: {  	v50 =	vsub.f32 $7.022843630e+02, v50;
	v51 =	vsub.f32 $7.022843630e+02, v51;
	v46 =	vmul.f32 v46, v13;
	v27 =	vld.idx.msk [tilespmem:v27+s18+$0x0], $0xffff  }
0x1d8: {  	v55 =	vmul.f32 $3.671265870e+02, v14;
	v56 =	vmul.f32 $3.671265870e+02, v13;
	v54 =	vadd.f32 v47, v44  }
0x1d9: {  	v53 =	vmul.f32 v53, v13;
	v57 =	vadd.f32 v48, v49;
	v52 =	vmul.f32 v52, v14  }
0x1da: {  	v42 =	vadd.f32 $-2.201894220e+05, v42;
	v43 =	vmul.f32 v43, v14;
	v40 =	vadd.f32 $-2.201894220e+05, v40  }
0x1db: {  	v45 =	vadd.f32 $-4.240294920e+04, v45;
	v46 =	vadd.f32 $-4.240294920e+04, v46;
	v41 =	vmul.f32 v41, v13  }
0x1dc: {  	v55 =	vadd.f32 $-1.054034960e+04, v55;
	v50 =	vmul.f32 v50, v14;
	v51 =	vmul.f32 v51, v13  }
0x1dd: {  	v54 =	vnsel vm0, $0x0, v54;
	vm0 =	vgt.f32 v15, $0.0e+00;
	v15 =	vadd.f32 $-1.054034960e+04, v56  }
0x1de: {  	v58 =	vadd.s32 $0x2, v9;
	v56 =	vadd.s32 $0x2, v10;
	v57 =	vnsel vm0, $0x0, v57  }
0x1df: {  	v44 =	vsub.f32 v44, v47;
	v20 =	vmul.f32 v54, v20;
	v22 =	vmul.f32 v54, v22  }
0x1e0: {  	v47 =	vsub.f32 v49, v48;
	v28 =	vmul.f32 v54, v28;
	v31 =	vmul.f32 v54, v31  }
0x1e1: {  	v34 =	vmul.f32 v57, v34;
	v36 =	vmul.f32 v57, v36;
	v48 =	vadd.f32 $-1.252314840e+05, v52  }
0x1e2: {  	v49 =	vadd.f32 $-1.252314840e+05, v53;
	v38 =	vmul.f32 v57, v38;
	v39 =	vmul.f32 v57, v39  }
0x1e3: {  	v42 =	vmul.f32 v42, v11;
	v43 =	vadd.f32 $3.846238440e+05, v43;
	v40 =	vmul.f32 v40, v12  }
0x1e4: {  	v45 =	vmul.f32 v45, v14;
	v46 =	vmul.f32 v46, v13;
	v41 =	vadd.f32 $3.846238440e+05, v41  }
0x1e5: {  	v50 =	vadd.f32 $-2.561720510e+04, v50;
	v51 =	vadd.f32 $-2.561720510e+04, v51;
	v52 =	vmul.f32 v55, v14  }
0x1e6: {  	v53 =	vand.u32 $0x1FFF, v56;
	v54 =	vand.u32 $0x1FFF, v58;
	v15 =	vmul.f32 v15, v13  }
0x1e7: {  	v56 =	vadd.s32 $0x1FFE, v9;
	v20 =	vadd.f32 $0.0e+00, v20;
	v55 =	vadd.s32 $0x1FFE, v10  }
0x1e8: {  	v21 =	vmul.f32 v44, v21;
	v22 =	vadd.f32 $0.0e+00, v22;
	v28 =	vadd.f32 $0.0e+00, v28  }
0x1e9: {  	v23 =	vmul.f32 v44, v23;
	v31 =	vadd.f32 $0.0e+00, v31;
	v34 =	vadd.f32 $0.0e+00, v34  }
0x1ea: {  	v26 =	vmul.f32 v44, v26;
	v36 =	vadd.f32 $0.0e+00, v36;
	v38 =	vadd.f32 $0.0e+00, v38  }
0x1eb: {  	v29 =	vmul.f32 v44, v29;
	v32 =	vmul.f32 v47, v32;
	v39 =	vadd.f32 $0.0e+00, v39;
	v44 =	vld.idx.msk [tilespmem:v53+s2+$0x0], $0xffff  }
0x1ec: {  	v33 =	vmul.f32 v47, v33;
	v35 =	vmul.f32 v47, v35;
	v57 =	vadd.f32 v48, v42;
	v58 =	vld.idx.msk [tilespmem:v53+s16+$0x0], $0xffff  }
0x1ed: {  	v43 =	vmul.f32 v43, v14;
	v37 =	vmul.f32 v47, v37;
	v47 =	vadd.f32 v49, v40;
	v59 =	vld.idx.msk [tilespmem:v53+s17+$0x0], $0xffff  }
0x1ee: {  	v45 =	vadd.f32 $1.496549250e+06, v45;
	v46 =	vadd.f32 $1.496549250e+06, v46;
	v41 =	vmul.f32 v41, v13;
	v53 =	vld.idx.msk [tilespmem:v53+s18+$0x0], $0xffff  }
0x1ef: {  	v50 =	vmul.f32 v50, v14;
	v51 =	vmul.f32 v51, v13;
	v52 =	vadd.f32 $1.818280000e+05, v52;
	v60 =	vld.idx.msk [tilespmem:v54+s2+$0x0], $0xffff  }
0x1f0: {  	v56 =	vand.u32 $0x1FFF, v56;
	v15 =	vadd.f32 $1.818280000e+05, v15;
	v55 =	vand.u32 $0x1FFF, v55;
	v61 =	vld.idx.msk [tilespmem:v54+s16+$0x0], $0xffff  }
0x1f1: {  	v63 =	vadd.s32 $0x1, v9;
	v20 =	vadd.f32 v20, v21;
	v21 =	vadd.s32 $0x1, v10;
	v62 =	vld.idx.msk [tilespmem:v54+s17+$0x0], $0xffff  }
0x1f2: {  	v22 =	vadd.f32 v22, v23;
	v23 =	vadd.f32 v28, v26;
	v17 =	vmul.f32 v57, v17;
	v26 =	vld.idx.msk [tilespmem:v54+s18+$0x0], $0xffff  }
0x1f3: {  	v28 =	vadd.f32 v31, v29;
	v29 =	vadd.f32 v34, v32;
	v16 =	vmul.f32 v57, v16  }
0x1f4: {  	v31 =	vadd.f32 v36, v33;
	v32 =	vadd.f32 v38, v35;
	v18 =	vmul.f32 v57, v18  }
0x1f5: {  	v34 =	vadd.f32 v39, v37;
	v19 =	vmul.f32 v57, v19;
	v24 =	vmul.f32 v47, v24;
	v33 =	vld.idx.msk [tilespmem:v55+s2+$0x0], $0xffff  }
0x1f6: {  	v35 =	vsub.f32 v42, v48;
	v25 =	vmul.f32 v47, v25;
	v30 =	vmul.f32 v47, v30;
	v36 =	vld.idx.msk [tilespmem:v55+s16+$0x0], $0xffff  }
0x1f7: {  	v37 =	vadd.f32 $1.665456000e+06, v43;
	v39 =	vsub.f32 v40, v49;
	v27 =	vmul.f32 v47, v27;
	v38 =	vld.idx.msk [tilespmem:v55+s17+$0x0], $0xffff  }
0x1f8: {  	v41 =	vadd.f32 $1.665456000e+06, v41;
	v40 =	vmul.f32 v45, v11;
	v43 =	vmul.f32 v46, v12;
	v42 =	vld.idx.msk [tilespmem:v55+s18+$0x0], $0xffff  }
0x1f9: {  	v45 =	vadd.f32 $5.477343130e+05, v50;
	v48 =	vadd.f32 $5.477343130e+05, v51;
	v46 =	vmul.f32 v52, v14;
	v47 =	vld.idx.msk [tilespmem:v56+s2+$0x0], $0xffff  }
0x1fa: {  	v21 =	vand.u32 $0x1FFF, v21;
	v15 =	vmul.f32 v15, v13;
	v50 =	vand.u32 $0x1FFF, v63;
	v49 =	vld.idx.msk [tilespmem:v56+s16+$0x0], $0xffff  }
0x1fb: {  	v52 =	vadd.s32 $0xFFFFFFFF, v9;
	v17 =	vadd.f32 v20, v17;
	v20 =	vadd.s32 $0xFFFFFFFF, v10;
	v51 =	vld.idx.msk [tilespmem:v56+s17+$0x0], $0xffff  }
0x1fc: {  	v16 =	vadd.f32 v22, v16;
	v18 =	vadd.f32 v23, v18;
	v22 =	vmul.f32 v35, v44;
	v23 =	vld.idx.msk [tilespmem:v56+s18+$0x0], $0xffff  }
0x1fd: {  	v19 =	vadd.f32 v28, v19;
	v24 =	vadd.f32 v29, v24;
	v28 =	vmul.f32 v35, v58  }
0x1fe: {  	v25 =	vadd.f32 v31, v25;
	v30 =	vadd.f32 v32, v30;
	v29 =	vmul.f32 v35, v59  }
0x1ff: {  	v27 =	vadd.f32 v34, v27;
	v31 =	vmul.f32 v35, v53;
	v34 =	vmul.f32 v39, v60;
	v32 =	vld.idx.msk [tilespmem:v21+s2+$0x0], $0xffff  }
0x200: {  	v35 =	vadd.f32 v37, v40;
	v53 =	vmul.f32 v39, v61;
	v54 =	vmul.f32 v39, v62;
	v44 =	vld.idx.msk [tilespmem:v21+s16+$0x0], $0xffff  }
0x201: {  	v14 =	vmul.f32 v45, v14;
	v26 =	vmul.f32 v39, v26;
	v39 =	vadd.f32 v41, v43;
	v55 =	vld.idx.msk [tilespmem:v21+s17+$0x0], $0xffff  }
0x202: {  	v15 =	vadd.f32 $-1.492470380e+06, v15;
	v13 =	vmul.f32 v48, v13;
	v45 =	vadd.f32 $-1.492470380e+06, v46;
	v21 =	vld.idx.msk [tilespmem:v21+s18+$0x0], $0xffff  }
0x203: {  	v46 =	vand.u32 $0x1FFF, v52;
	v20 =	vand.u32 $0x1FFF, v20;
	v17 =	vadd.f32 v17, v22;
	v22 =	vld.idx.msk [tilespmem:v50+s2+$0x0], $0xffff  }
0x204: {  	v16 =	vadd.f32 v16, v28;
	v18 =	vadd.f32 v18, v29;
	v28 =	vmul.f32 v35, v33;
	v29 =	vld.idx.msk [tilespmem:v50+s16+$0x0], $0xffff  }
0x205: {  	v19 =	vadd.f32 v19, v31;
	v24 =	vadd.f32 v24, v34;
	v31 =	vmul.f32 v35, v36;
	v33 =	vld.idx.msk [tilespmem:v50+s17+$0x0], $0xffff  }
0x206: {  	v25 =	vadd.f32 v25, v53;
	v30 =	vadd.f32 v30, v54;
	v34 =	vmul.f32 v35, v38;
	v36 =	vld.idx.msk [tilespmem:v50+s18+$0x0], $0xffff  }
0x207: {  	v26 =	vadd.f32 v27, v26;
	v35 =	vmul.f32 v42, v35;
	v27 =	vmul.f32 v39, v47  }
0x208: {  	v37 =	vsub.f32 v40, v37;
	v40 =	vmul.f32 v39, v49;
	v42 =	vmul.f32 v39, v51;
	v38 =	vld.idx.msk [tilespmem:v20+s2+$0x0], $0xffff  }
0x209: {  	v14 =	vadd.f32 $-5.311669500e+06, v14;
	v41 =	vsub.f32 v43, v41;
	v23 =	vmul.f32 v23, v39;
	v47 =	vld.idx.msk [tilespmem:v20+s16+$0x0], $0xffff  }
0x20a: {  	v12 =	vmul.f32 v15, v12;
	v13 =	vadd.f32 $-5.311669500e+06, v13;
	v11 =	vmul.f32 v45, v11;
	v39 =	vld.idx.msk [tilespmem:v20+s17+$0x0], $0xffff  }
0x20b: {  	v15 =	vadd.f32 v17, v28;
	v28 =	vand.u32 $0x1FFF, v9;
	v17 =	vld.idx.msk [tilespmem:v20+s18+$0x0], $0xffff;
	v20 =	vand.u32 $0x1FFF, v10  }
0x20c: {  	v16 =	vadd.f32 v16, v31;
	v18 =	vadd.f32 v18, v34;
	v31 =	vmul.f32 v32, v37;
	v32 =	vld.idx.msk [tilespmem:v46+s2+$0x0], $0xffff  }
0x20d: {  	v19 =	vadd.f32 v19, v35;
	v24 =	vadd.f32 v24, v27;
	v34 =	vmul.f32 v44, v37;
	v27 =	vld.idx.msk [tilespmem:v46+s16+$0x0], $0xffff  }
0x20e: {  	v25 =	vadd.f32 v25, v40;
	v30 =	vadd.f32 v30, v42;
	v35 =	vmul.f32 v55, v37;
	v40 =	vld.idx.msk [tilespmem:v46+s17+$0x0], $0xffff  }
0x20f: {  	v23 =	vadd.f32 v26, v23;
	v21 =	vmul.f32 v21, v37;
	v22 =	vmul.f32 v22, v41;
	v26 =	vld.idx.msk [tilespmem:v46+s18+$0x0], $0xffff  }
0x210: {  	v37 =	vadd.f32 v14, v11;
	v29 =	vmul.f32 v29, v41;
	v33 =	vmul.f32 v33, v41;
	v42 =	vld.idx.msk [tilespmem:v20+s2+$0x0], $0xffff  }
0x211: {  	v10 =	vand.u32 $0x1, v10;
	v36 =	vmul.f32 v36, v41;
	v41 =	vadd.f32 v13, v12;
	v43 =	vld.idx.msk [tilespmem:v20+s16+$0x0], $0xffff  }
0x212: {  	v9 =	vand.u32 $0x1, v9;
	v15 =	vadd.f32 v15, v31;
	v16 =	vadd.f32 v16, v34;
	v31 =	vld.idx.msk [tilespmem:v20+s17+$0x0], $0xffff  }
0x213: {  	v18 =	vadd.f32 v18, v35;
	v19 =	vadd.f32 v19, v21;
	v21 =	vmul.f32 v38, v37;
	v34 =	vld.idx.msk [tilespmem:v20+s18+$0x0], $0xffff  }
0x214: {  	v22 =	vadd.f32 v24, v22;
	v24 =	vadd.f32 v25, v29;
	v20 =	vmul.f32 v47, v37;
	v25 =	vld.idx.msk [tilespmem:v28+s2+$0x0], $0xffff  }
0x215: {  	v30 =	vadd.f32 v30, v33;
	v33 =	vadd.f32 v23, v36;
	v29 =	vmul.f32 v39, v37;
	v35 =	vld.idx.msk [tilespmem:v28+s16+$0x0], $0xffff  }
0x216: {  	v14 =	vsub.f32 v11, v14;
	v17 =	vmul.f32 v17, v37;
	v23 =	vmul.f32 v32, v41;
	v32 =	vld.idx.msk [tilespmem:v28+s17+$0x0], $0xffff  }
0x217: {  	v36 =	vsub.f32 v12, v13;
	v13 =	vmul.f32 v27, v41;
	v27 =	vmul.f32 v40, v41;
	v28 =	vld.idx.msk [tilespmem:v28+s18+$0x0], $0xffff  }
0x218: {  	v15 =	vadd.f32 v15, v21;
	v37 =	vcvt.s32.f32 v10;
	v26 =	vmul.f32 v26, v41  }
0x219: {  	v11 =	vadd.f32 v29, v18;
	v18 =	vcvt.s32.f32 v9;
	v16 =	vadd.f32 v16, v20  }
.Ltmp0:
0x21a: {  	v12 =	vadd.f32 v17, v19;
	v9 =	vadd.f32 v22, v23;
	v21 =	vmul.f32 v42, v14;
	(pc) =	sbr.rel @p0 .LBB2_2-.Ltmp0, $4  }
0x21b: {  	v13 =	vadd.f32 v24, v13;
	v10 =	vadd.f32 v27, v30;
	v20 =	vmul.f32 v43, v14  }
0x21c: {  	v23 =	vmul.f32 v31, v14;
	v19 =	vmul.f32 v34, v14;
	v14 =	vadd.f32 v26, v33  }
0x21d: {  	v26 =	vadd.f32 v37, v37;
	v22 =	vmul.f32 v25, v36;
	v24 =	vmul.f32 v35, v36  }
0x21e: {  	s6 =	sadd.s32 $0x30, s6;
	v18 =	vadd.f32 v18, v18;
	v25 =	vmul.f32 v32, v36;
	v17 =	vmul.f32 v28, v36  }
0x21f: {  	v4 =	vmul.f32 v4, v8  }
0x220: {  	v2 =	vmul.f32 v2, v8  }
0x221: {  	v3 =	vmul.f32 v3, v7;
	[tilespmem:s19+$0xFFFFFFE0] =	vst v4  }
0x222: {  	[tilespmem:s22+$0xFFFFFFE0] =	vst v2;
	v2 =	vmul.f32 v6, v7  }
0x223: {  	v57 =	vadd.f32 v21, v15;
	v58 =	vsub.f32 $1.000000000e+00, v26;
	[tilespmem:s1+$0xFFFFFFF0] =	vst v3;
	v3 =	vmul.f32 v5, v7  }
0x224: {  	v59 =	vadd.f32 v20, v16;
	v1 =	vmul.f32 v1, v7;
	[tilespmem:s21+$0xFFFFFFF0] =	vst v2  }
0x225: {  	v4 =	vmul.f32 v57, v58;
	v2 =	vadd.f32 v23, v11;
	[tilespmem:s19+$0xFFFFFFF0] =	vst v3  }
0x226: {  	v3 =	vadd.f32 v19, v12;
	[tilespmem:s22+$0xFFFFFFF0] =	vst v1;
	v1 =	vmul.f32 v59, v58  }
0x227: {  	v60 =	vadd.f32 v22, v9;
	v61 =	vsub.f32 $1.000000000e+00, v18;
	[tilespmem:s23+$0xFFFFFFE0] =	vst v4;
	v2 =	vmul.f32 v2, v58  }
0x228: {  	v62 =	vadd.f32 v24, v13;
	[tilespmem:s24+$0xFFFFFFE0] =	vst v1;
	v1 =	vmul.f32 v3, v58  }
0x229: {  	v3 =	vadd.f32 v25, v10;
	[tilespmem:s3+$0xFFFFFFE0] =	vst v2;
	v2 =	vmul.f32 v60, v61  }
0x22a: {  	v63 =	vadd.f32 v17, v14;
	[tilespmem:s4+$0xFFFFFFE0] =	vst v1;
	v1 =	vmul.f32 v62, v61  }
0x22b: {  	[tilespmem:s23+$0xFFFFFFF0] =	vst v2;
	v2 =	vmul.f32 v3, v61  }
0x22c: {  	[tilespmem:s24+$0xFFFFFFF0] =	vst v1;
	v1 =	vmul.f32 v63, v61  }
0x22d: {  	[tilespmem:s3+$0xFFFFFFF0] =	vst v2  }
0x22e: {  	[tilespmem:s4+$0xFFFFFFF0] =	vst v1  }
.LBB2_4:
0x22f: {  	v1 =	vld [tilespmem:s26+$0x0];
	_ =	sdelay $0x4  }
0x230: {  	v2 =	vmul.f32 $8.192000000e+03, v1;
	_ =	sdelay $0x1  }
0x231: {  	v1 =	vtrunc.f32 v2  }
0x232: {  	v3 =	vcvt.f32.s32 v1;
	vm0 =	vgt.f32 v2, v1  }
0x233: {  	v1 =	vsel vm0, $0x1, v0  }
0x234: {  	v1 =	vadd.s32 v3, v1  }
0x235: {  	v3 =	vcvt.s32.f32 v1;
	_ =	sdelay $0x1  }
0x236: {  	v4 =	vsub.f32 v3, v2;
	_ =	sdelay $0x1  }
0x237: {  	v2 =	vadd.f32 v4, v4;
	_ =	sdelay $0x1  }
0x238: {  	v2 =	vadd.f32 $-1.000000000e+00, v2;
	_ =	sdelay $0x1  }
0x239: {  	v3 =	vmul.f32 v2, v2;
	_ =	sdelay $0x1  }
0x23a: {  	v5 =	vmul.f32 $-6.313917160e+00, v3;
	_ =	sdelay $0x1  }
0x23b: {  	v7 =	vadd.s32 $0x1FFC, v1;
	v6 =	vmul.f32 $-6.836809640e+00, v3;
	v5 =	vadd.f32 $1.254091950e+02, v5  }
0x23c: {  	v7 =	vand.u32 $0x1FFF, v7;
	v8 =	vmul.f32 $-1.712478260e+01, v3  }
0x23d: {  	v6 =	vadd.f32 $7.631654660e+02, v6;
	v5 =	vmul.f32 v5, v3  }
0x23e: {  	v10 =	vmul.f32 $3.816824720e+01, v3;
	v8 =	vadd.f32 $6.792153320e+02, v8  }
0x23f: {  	v9 =	vadd.s32 $0x3, v1;
	v6 =	vmul.f32 v6, v3;
	v5 =	vadd.f32 $2.304133790e+03, v5  }
0x240: {  	v48 =	vadd.s32 $0x1FFD, v1;
	v10 =	vadd.f32 $1.606314210e+03, v10;
	v8 =	vmul.f32 v8, v3  }
0x241: {  	v9 =	vand.u32 $0x1FFF, v9;
	v11 =	vld.idx.msk [tilespmem:v7+s2+$0x0], $0xffff;
	v6 =	vadd.f32 $4.195156250e+03, v6;
	v5 =	vmul.f32 v5, v3  }
0x242: {  	v17 =	vadd.s32 $0x2, v1;
	v12 =	vld.idx.msk [tilespmem:v7+s16+$0x0], $0xffff;
	v46 =	vmul.f32 v10, v3;
	v45 =	vadd.f32 $-7.072537110e+03, v8  }
0x243: {  	v17 =	vand.u32 $0x1FFF, v17;
	v14 =	vld.idx.msk [tilespmem:v7+s17+$0x0], $0xffff;
	v6 =	vmul.f32 v6, v3;
	v5 =	vadd.f32 $4.637730960e+03, v5  }
0x244: {  	v24 =	vadd.s32 $0x1FFE, v1;
	v44 =	vld.idx.msk [tilespmem:v7+s18+$0x0], $0xffff;
	v8 =	vadd.f32 $-5.593729300e+04, v46;
	v7 =	vmul.f32 v45, v3  }
0x245: {  	v31 =	vadd.s32 $0x1, v1;
	v6 =	vadd.f32 $2.863000980e+03, v6;
	v5 =	vmul.f32 v5, v3  }
0x246: {  	vm15 =	vgt.f32 v4, $0.0e+00;
	v15 =	vld.idx.msk [tilespmem:v9+s2+$0x0], $0xffff;
	v8 =	vmul.f32 v8, v3;
	v7 =	vadd.f32 $-1.584707810e+05, v7  }
0x247: {  	v16 =	vld.idx.msk [tilespmem:v9+s17+$0x0], $0xffff;
	v19 =	vmul.f32 $-2.333320430e+01, v3;
	v6 =	vmul.f32 v6, v2;
	v5 =	vadd.f32 $7.550222160e+02, v5  }
0x248: {  	v62 =	vld.idx.msk [tilespmem:v17+s2+$0x0], $0xffff;
	v59 =	vmul.f32 $1.927003170e+02, v3;
	v8 =	vadd.f32 $-2.201894220e+05, v8;
	v7 =	vmul.f32 v7, v3  }
0x249: {  	v22 =	vld.idx.msk [tilespmem:v17+s16+$0x0], $0xffff;
	v28 =	vmul.f32 $-1.153023620e+01, v3;
	v32 =	vmul.f32 $3.671265870e+02, v3;
	v13 =	vadd.f32 v5, v6  }
0x24a: {  	v29 =	vld.idx.msk [tilespmem:v17+s17+$0x0], $0xffff;
	v63 =	vadd.f32 $-2.613509280e+03, v59;
	v8 =	vmul.f32 v8, v2;
	v7 =	vadd.f32 $-1.252314840e+05, v7  }
0x24b: {  	v5 =	vsub.f32 v6, v5;
	v47 =	vnsel vm15, $0x0, v13;
	v13 =	vand.u32 $0x1FFF, v48  }
0x24c: {  	v23 =	vmul.f32 v63, v3;
	v56 =	vadd.f32 v7, v8;
	v7 =	vsub.f32 v8, v7  }
0x24d: {  	v20 =	vadd.s32 $0xFFFFFFFF, v1;
	v51 =	vld.idx.msk [tilespmem:v9+s16+$0x0], $0xffff;
	v53 =	vmul.f32 v5, v15;
	v16 =	vmul.f32 v5, v16  }
0x24e: {  	v30 =	vld.idx.msk [tilespmem:v17+s18+$0x0], $0xffff;
	v17 =	vand.u32 $0x1FFF, v31;
	v27 =	vmul.f32 v7, v62;
	v8 =	vmul.f32 v7, v22  }
0x24f: {  	v9 =	vld.idx.msk [tilespmem:v9+s18+$0x0], $0xffff;
	v58 =	vadd.f32 $1.252984860e+03, v19;
	v15 =	vmul.f32 v7, v29;
	v49 =	vmul.f32 v47, v11  }
0x250: {  	v26 =	vadd.f32 $-4.240294920e+04, v23;
	v50 =	vmul.f32 v47, v12;
	v14 =	vmul.f32 v47, v14;
	v54 =	vld.idx.msk [tilespmem:v13+s2+$0x0], $0xffff  }
0x251: {  	v4 =	vmul.f32 v47, v44;
	v44 =	vand.u32 $0x1FFF, v1;
	v1 =	vand.u32 $0x1, v1;
	v55 =	vld.idx.msk [tilespmem:v13+s17+$0x0], $0xffff  }
0x252: {  	v1 =	vcvt.s32.f32 v1;
	v6 =	vadd.f32 $0.0e+00, v49;
	v11 =	vadd.f32 $0.0e+00, v50;
	v18 =	vld.idx.msk [tilespmem:v13+s16+$0x0], $0xffff  }
0x253: {  	v52 =	vadd.f32 $0.0e+00, v14;
	v4 =	vadd.f32 $0.0e+00, v4;
	v57 =	vld.idx.msk [tilespmem:v13+s18+$0x0], $0xffff;
	v13 =	vmul.f32 v58, v3  }
0x254: {  	v12 =	vmul.f32 v5, v51;
	v14 =	vadd.f32 $7.022843630e+02, v28;
	v1 =	vadd.f32 v1, v1  }
0x255: {  	v5 =	vmul.f32 v5, v9;
	v6 =	vadd.f32 v6, v53;
	v13 =	vadd.f32 $-3.498903910e+04, v13  }
0x256: {  	v10 =	vadd.f32 v52, v16;
	v60 =	vmul.f32 v56, v54;
	v21 =	vmul.f32 v56, v55  }
0x257: {  	v4 =	vadd.f32 v4, v5;
	v14 =	vmul.f32 v14, v3;
	v25 =	vmul.f32 v13, v3  }
0x258: {  	v5 =	vadd.f32 v6, v60;
	v6 =	vadd.f32 v10, v21;
	v10 =	vand.u32 $0x1FFF, v24  }
0x259: {  	v40 =	vld.idx.msk [tilespmem:v17+s16+$0x0], $0xffff;
	v14 =	vadd.f32 $-2.561720510e+04, v14;
	v61 =	vmul.f32 v56, v18;
	v18 =	vadd.f32 $-1.054034960e+04, v32  }
0x25a: {  	v41 =	vld.idx.msk [tilespmem:v17+s17+$0x0], $0xffff;
	v11 =	vadd.f32 v11, v12;
	v13 =	vmul.f32 v26, v3;
	v12 =	vadd.f32 $3.846238440e+05, v25  }
0x25b: {  	v38 =	vand.u32 $0x1FFF, v20;
	v43 =	vld.idx.msk [tilespmem:v17+s18+$0x0], $0xffff;
	v14 =	vmul.f32 v14, v3;
	v18 =	vmul.f32 v18, v3  }
0x25c: {  	v1 =	vsub.f32 $1.000000000e+00, v1;
	v13 =	vadd.f32 $1.496549250e+06, v13;
	v21 =	vld.idx.msk [tilespmem:v17+s2+$0x0], $0xffff;
	v12 =	vmul.f32 v12, v3  }
0x25d: {  	v9 =	vmul.f32 v56, v57;
	v14 =	vadd.f32 $5.477343130e+05, v14;
	v18 =	vadd.f32 $1.818280000e+05, v18;
	v33 =	vld.idx.msk [tilespmem:v10+s2+$0x0], $0xffff  }
0x25e: {  	v11 =	vadd.f32 v11, v61;
	v35 =	vmul.f32 v13, v2;
	v34 =	vadd.f32 $1.665456000e+06, v12;
	v36 =	vld.idx.msk [tilespmem:v10+s16+$0x0], $0xffff  }
0x25f: {  	v4 =	vadd.f32 v4, v9;
	v5 =	vadd.f32 v5, v27;
	v18 =	vmul.f32 v18, v3;
	v37 =	vld.idx.msk [tilespmem:v10+s17+$0x0], $0xffff  }
0x260: {  	v7 =	vmul.f32 v7, v30;
	v8 =	vadd.f32 v11, v8;
	v10 =	vld.idx.msk [tilespmem:v10+s18+$0x0], $0xffff;
	v11 =	vsub.f32 v35, v34  }
0x261: {  	v46 =	vld.idx.msk [tilespmem:v38+s2+$0x0], $0xffff;
	v3 =	vmul.f32 v14, v3;
	v39 =	vadd.f32 v34, v35;
	v45 =	vadd.f32 $-1.492470380e+06, v18  }
0x262: {  	v48 =	vld.idx.msk [tilespmem:v38+s16+$0x0], $0xffff;
	v4 =	vadd.f32 v4, v7;
	v49 =	vmul.f32 v21, v11;
	v7 =	vmul.f32 v40, v11  }
0x263: {  	v50 =	vld.idx.msk [tilespmem:v38+s17+$0x0], $0xffff;
	v3 =	vadd.f32 $-5.311669500e+06, v3;
	v2 =	vmul.f32 v45, v2;
	v9 =	vmul.f32 v39, v33  }
0x264: {  	v54 =	vld.idx.msk [tilespmem:v44+s2+$0x0], $0xffff;
	v6 =	vadd.f32 v6, v15;
	v42 =	vmul.f32 v39, v36;
	v47 =	vmul.f32 v39, v37  }
0x265: {  	v51 =	vld.idx.msk [tilespmem:v38+s18+$0x0], $0xffff;
	v10 =	vmul.f32 v10, v39;
	v53 =	vadd.f32 v3, v2;
	v2 =	vsub.f32 v2, v3  }
0x266: {  	v56 =	vld.idx.msk [tilespmem:v44+s16+$0x0], $0xffff;
	v52 =	vmul.f32 v41, v11;
	v5 =	vadd.f32 v5, v9;
	v8 =	vadd.f32 v8, v42  }
0x267: {  	v58 =	vld.idx.msk [tilespmem:v44+s17+$0x0], $0xffff;
	v55 =	vmul.f32 v43, v11;
	v6 =	vadd.f32 v6, v47;
	v4 =	vadd.f32 v4, v10  }
0x268: {  	v59 =	vld.idx.msk [tilespmem:v44+s18+$0x0], $0xffff;
	v57 =	vmul.f32 v46, v53;
	v3 =	vmul.f32 v48, v53;
	v5 =	vadd.f32 v5, v49  }
0x269: {  	v60 =	vmul.f32 v50, v53;
	v61 =	vmul.f32 v54, v2;
	v7 =	vadd.f32 v8, v7  }
0x26a: {  	v10 =	vmul.f32 v51, v53;
	v6 =	vadd.f32 v6, v52;
	v5 =	vadd.f32 v5, v57  }
0x26b: {  	v11 =	vmul.f32 v56, v2;
	v4 =	vadd.f32 v4, v55;
	v3 =	vadd.f32 v7, v3  }
0x26c: {  	v62 =	vmul.f32 v58, v2;
	v6 =	vadd.f32 v60, v6;
	v5 =	vadd.f32 v61, v5  }
0x26d: {  	s30 =	sadd.s32 $0x10, s30;
	v2 =	vmul.f32 v59, v2;
	v4 =	vadd.f32 v10, v4;
	v3 =	vadd.f32 v11, v3  }
0x26e: {  	p0 =	slt.u32 s30, $0x1FF0;
	v6 =	vadd.f32 v62, v6;
	v5 =	vmul.f32 v5, v1  }
.Ltmp1:
0x26f: {  	v2 =	vadd.f32 v2, v4;
	v3 =	vmul.f32 v3, v1;
	(pc) =	sbr.rel @p0 .LBB2_4-.Ltmp1, $4  }
0x270: {  	v63 =	vmul.f32 v6, v1;
	[tilespmem:s29+$0x0] =	vst v5  }
0x271: {  	v1 =	vmul.f32 v2, v1;
	[tilespmem:s28+$0x0] =	vst v3  }
0x272: {  	s26 =	sadd.s32 $0x10, s26;
	s29 =	sadd.s32 $0x10, s29;
	[tilespmem:s0+$0x0] =	vst v63  }
0x273: {  	s28 =	sadd.s32 $0x10, s28;
	s0 =	sadd.s32 $0x10, s0;
	[tilespmem:s31+$0x0] =	vst v1;
	s31 =	sadd.s32 $0x10, s31  }
0x274: {  	s0 =	simm.s32 $0xA000  }
0x275: {  	[hbm4b:s8+s13] =	stream.strided.scatter [tilespmem:s0], [sflag:$0x1], $0x2000, s20, s13, $0x38;
	[tilespmem:$0x12000] =	vst v63  }
0x276: {  	_ =	swait.ge [sflag:s15], $0x2000  }
0x277: {  	[sflag:s15] =	ssyncset.done $0x0  }
0x278: {  	s29 =	simm.s32 $0xC000;
	[sflag:s15] =	ssyncadd.s32 $0xFFFFE000  }
0x279: {  	[hbm4b:s9+s13] =	stream.strided.scatter [tilespmem:s29], [sflag:$0x1], $0x2000, s20, s13, $0x38;
	[tilespmem:$0x12000] =	vst v63  }
0x27a: {  	_ =	swait.ge [sflag:s15], $0x2000  }
0x27b: {  	[sflag:s15] =	ssyncset.done $0x0  }
0x27c: {  	s30 =	simm.s32 $0xE000;
	[sflag:s15] =	ssyncadd.s32 $0xFFFFE000  }
0x27d: {  	[hbm4b:s10+s13] =	stream.strided.scatter [tilespmem:s30], [sflag:$0x1], $0x2000, s20, s13, $0x38;
	[tilespmem:$0x12000] =	vst v63  }
0x27e: {  	s25 =	sadd.s32 $0x1, s25;
	_ =	swait.ge [sflag:s15], $0x2000  }
0x27f: {  	p0 =	sne.s32 s25, s12;
	[sflag:s15] =	ssyncset.done $0x0  }
.Ltmp2:
0x280: {  	s31 =	simm.s32 $0x10000;
	[sflag:s15] =	ssyncadd.s32 $0xFFFFE000;
	(pc) =	sbr.rel @p0 .LBB2_1-.Ltmp2, $4  }
0x281: {  	[hbm4b:s11+s13] =	stream.strided.scatter [tilespmem:s31], [sflag:$0x1], $0x2000, s20, s13, $0x38;
	[tilespmem:$0x12000] =	vst v63  }
0x282: {  	_ =	swait.ge [sflag:s15], $0x2000  }
0x283: {  	[sflag:s15] =	ssyncset.done $0x0  }
0x284: {  	[sflag:s15] =	ssyncadd.s32 $0xFFFFE000  }
0x285: {  	_ =	sfence.sel $0x180000  }
0x286: {  	[bflag:$0x0] =	sbarrier.arrive $0xFFFF  }
0x287: {  	_ =	strace $0x90000047  }
0x288: {  	s0 =	stileid.u32;
	[bflag:$0x2] =	sbarrier.arrive $0xFFFF  }
0x289: {  	p0 =	sne.s32 s0, $0x0;
	s0 =	rddreg [dreg:$0x2]  }
0x28a: {  	s0 =	sadd.s32 @!p0 $0x100000, s0  }
0x28b: {  	[sflag:s0] =	ssyncadd.tile.s32 @!p0 $0x1;
	_ =	shalt  }
.Lfunc_end2:
_tile_overlayer_lowered:
.L_overlay_start_2:
0x28c: {  	(tag) =	ssettag $0x2  }
0x28d: {  	s0 =	rddreg [dreg:$0x0];
	s2 =	stileid.u32  }
0x28e: {  	s1 =	rddreg [dreg:$0x1];
	p0 =	sne.s32 s2, $0x0  }
0x28f: {  	s3 =	rddreg [dreg:$0x2];
	[bflag:$0x3] =	sbarrier.arrive $0xFFFF;
	s2 =	simm.s32 @!p0 $0x1C01  }
0x290: {  	[timem:s3], [sflag:s2] =	dma.local @!p0 [hbm:s0], s1  }
0x291: {  	s0 =	simm.s32 @!p0 $0x1  }
0x292: {  	_ =	swait.ge @!p0 [sflag:s0], s1  }
0x293: {  	s1 =	ssub.s32 @!p0 $0x0, s1;
	[sflag:s0] =	ssyncset.done @!p0 $0x0  }
0x294: {  	[sflag:s0] =	ssyncadd.s32 @!p0 s1  }
0x295: {  	[bflag:$0x3] =	sbarrier.arrive $0xFFFF  }
0x296: {  	_ =	shalt  }

</sc_bundles>
